<compile_context>
chip_gen: v7x
topology: tpu7x:2x2x1
jax: 0.10.2.dev20260603
libtpu: 0.0.44.dev20260713+nightly
codegen_flags: <defaults>
</compile_context>

<pallas_src>
import functools

import jax
import jax.numpy as jnp
from jax import lax
from jax.experimental import pallas as pl
from jax.experimental.pallas import tpu as pltpu
from jax.experimental.pallas import tpu_sc as plsc

F32 = jnp.float32
BF16 = jnp.bfloat16
NUM_EMB = 8192
LATENT = 64
CC = 0.25
B = 4
M = 2048
TS = 512

_HIGH = lax.Precision.HIGHEST


def _dot(a, b, precision=None):
    return lax.dot_general(a, b, (((1,), (0,)), ((), ())),
                           preferred_element_type=F32, precision=precision)



def _enc_body(x_ref, w1_ref, b1_ref, w2_ref, b2_ref, w3_ref, b3_ref,
              z_ref, zb_ref, rn_ref):
    X = x_ref[0]
    b1 = b1_ref[0]
    b2 = b2_ref[0]
    b3 = b3_ref[0]

    taps1 = [
        [(7, -1), (0, 0), (1, 0), (2, 0)],
        [(1, 0), (2, 0), (3, 0), (4, 0)],
        [(3, 0), (4, 0), (5, 0), (6, 0)],
        [(5, 0), (6, 0), (7, 0), (0, 1)],
    ]
    rows1 = jax.lax.broadcasted_iota(jnp.int32, (2050, 1), 0)
    edge1 = (rows1 == 0) | (rows1 == 2049)
    h1b = []
    for p in range(4):
        cols = [X[1 + d:2051 + d, r:r + 1] for (r, d) in taps1[p]]
        patch = jnp.concatenate(cols, axis=1).astype(F32)
        pre = _dot(patch, w1_ref[...]) + b1[None, :]
        h1 = jnp.maximum(pre, 0.0)
        h1 = jnp.where(edge1, 0.0, h1)
        h1b.append(h1.astype(BF16))

    taps2 = [
        [(3, -1), (0, 0), (1, 0), (2, 0)],
        [(1, 0), (2, 0), (3, 0), (0, 1)],
    ]
    zrow256 = jnp.zeros((1, 256), BF16)
    h2b = []
    for q in range(2):
        blocks = [h1b[p][1 + d:2049 + d, :] for (p, d) in taps2[q]]
        patch = jnp.concatenate(blocks, axis=1)
        pre = _dot(patch, w2_ref[...]) + b2[None, :]
        h2 = jnp.maximum(pre, 0.0)
        h2b.append(jnp.concatenate([zrow256, h2.astype(BF16), zrow256], axis=0))

    taps3 = [(1, -1), (0, 0), (1, 0), (0, 1)]
    blocks = [h2b[p][1 + d:2049 + d, :] for (p, d) in taps3]
    w3full = w3_ref[...]
    ds = [_dot(blocks[t], w3full[256 * t:256 * (t + 1), :]) for t in range(4)]
    pre = ((ds[0] + ds[1]) + ds[2]) + ds[3] + b3[None, :]
    zT = jnp.maximum(pre, 0.0)

    z_ref[0] = zT
    zb_ref[0] = zT.astype(BF16)
    rn_ref[0, 0, :] = jnp.sum(zT * zT, axis=1)


def _encoder(xph, w1k, b1, w2k, b2, w3k, b3):
    return pl.pallas_call(
        _enc_body,
        grid=(B,),
        in_specs=[
            pl.BlockSpec((1, 2052, 8), lambda b: (b, 0, 0)),
            pl.BlockSpec((4, 128), lambda b: (0, 0)),
            pl.BlockSpec((1, 128), lambda b: (0, 0)),
            pl.BlockSpec((512, 256), lambda b: (0, 0)),
            pl.BlockSpec((1, 256), lambda b: (0, 0)),
            pl.BlockSpec((1024, 64), lambda b: (0, 0)),
            pl.BlockSpec((1, 64), lambda b: (0, 0)),
        ],
        out_specs=[
            pl.BlockSpec((1, M, 64), lambda b: (b, 0, 0)),
            pl.BlockSpec((1, M, 64), lambda b: (b, 0, 0)),
            pl.BlockSpec((1, 1, M), lambda b: (b, 0, 0)),
        ],
        out_shape=[
            jax.ShapeDtypeStruct((B, M, 64), F32),
            jax.ShapeDtypeStruct((B, M, 64), BF16),
            jax.ShapeDtypeStruct((B, 1, M), F32),
        ],
    )(xph, w1k, b1, w2k, b2, w3k, b3)



def _dist_body(flatb_ref, cbt_ref, rn_ref, idx_ref, cn_scr):
    i = pl.program_id(0)

    @pl.when(i == 0)
    def _():
        cbt = cbt_ref[...]
        cn_scr[...] = jnp.sum(cbt * cbt, axis=0, keepdims=True)

    flat = flatb_ref[...].astype(F32)
    dot = _dot(flat, cbt_ref[...])
    d = (rn_ref[...] + cn_scr[...]) - 2.0 * dot
    mn = jnp.min(d, axis=1)
    codes = jax.lax.broadcasted_iota(jnp.int32, d.shape, 1)
    idx = jnp.min(jnp.where(d == mn[:, None], codes, NUM_EMB), axis=1)
    idx_ref[0, 0, :] = idx


def _distance_argmin(flatb, cbt, rn2):
    nt = (B * M) // TS
    return pl.pallas_call(
        _dist_body,
        grid=(nt,),
        in_specs=[
            pl.BlockSpec((TS, 64), lambda i: (i, 0)),
            pl.BlockSpec((64, NUM_EMB), lambda i: (0, 0)),
            pl.BlockSpec((TS, 1), lambda i: (i, 0)),
        ],
        out_specs=pl.BlockSpec((1, 1, TS), lambda i: (i, 0, 0)),
        out_shape=jax.ShapeDtypeStruct((nt, 1, TS), jnp.int32),
        scratch_shapes=[pltpu.VMEM((1, NUM_EMB), F32)],
    )(flatb, cbt, rn2)



_BPW = (B * M) // 32


def _sc_gather(table, idx):
    mesh = plsc.VectorSubcoreMesh(core_axis_name="c", subcore_axis_name="s")

    @functools.partial(
        pl.kernel,
        out_type=jax.ShapeDtypeStruct((B * M, 128), F32),
        mesh=mesh,
        scratch_types=[
            pltpu.VMEM((_BPW,), jnp.int32),
            pltpu.VMEM((_BPW, 128), F32),
            pltpu.SemaphoreType.DMA,
        ],
    )
    def body(table_hbm, idx_hbm, out_hbm, idx_v, rows_v, sem):
        wid = lax.axis_index("s") * 2 + lax.axis_index("c")
        base = wid * _BPW
        pltpu.sync_copy(idx_hbm.at[pl.ds(base, _BPW)], idx_v)
        pltpu.async_copy(table_hbm.at[idx_v], rows_v, sem).wait()
        pltpu.sync_copy(rows_v, out_hbm.at[pl.ds(base, _BPW)])

    return body(table, idx)



def _dec_body(q_ref, idx_ref, z_ref, we1_ref, wo1_ref, db1_ref, w2s_ref,
              db2_ref, w3s_ref, db3_ref, qout_ref, rec_ref, loss_ref):
    b = pl.program_id(0)
    zT = z_ref[0]
    rows = q_ref[0]
    odd = (idx_ref[0] & 1) == 1
    q = jnp.where(odd, rows[:, 64:128], rows[:, 0:64])
    sub = q - zT
    qout = zT + sub
    qout_ref[0] = jnp.transpose(qout, (1, 0))

    part = jnp.sum(sub * sub, keepdims=True).reshape(1, 1)

    @pl.when(b == 0)
    def _():
        loss_ref[...] = jnp.zeros((1, 1), F32)
    loss_ref[...] += part

    @pl.when(b == B - 1)
    def _():
        mean = loss_ref[...] / (B * M * LATENT)
        loss_ref[...] = mean + CC * mean

    db1 = db1_ref[0]
    db2 = db2_ref[0]

    qb = qout.astype(BF16)
    zrow64 = jnp.zeros((1, 64), BF16)
    qp = jnp.concatenate([zrow64, qb, zrow64], axis=0)

    patch_e = jnp.concatenate([qp[1:2049], qp[0:2048]], axis=1)
    d1e = jnp.maximum(_dot(patch_e, we1_ref[...]) + db1[None, :], 0.0)
    patch_o = jnp.concatenate([qp[1:2049], qp[2:2050]], axis=1)
    d1o = jnp.maximum(_dot(patch_o, wo1_ref[...]) + db1[None, :], 0.0)

    zrow256 = jnp.zeros((1, 256), BF16)
    d1ep = jnp.concatenate([zrow256, d1e.astype(BF16), zrow256], axis=0)
    d1op = jnp.concatenate([zrow256, d1o.astype(BF16), zrow256], axis=0)

    taps = [
        ((d1ep, 0), (d1op, -1)),
        ((d1op, 0), (d1ep, 0)),
        ((d1op, 0), (d1ep, 0)),
        ((d1ep, 1), (d1op, 0)),
    ]
    d2 = []
    for s in range(4):
        (a, da), (c, dc) = taps[s]
        patch = jnp.concatenate(
            [a[1 + da:2049 + da], c[1 + dc:2049 + dc]], axis=1)
        pre = _dot(patch, w2s_ref[s]) + db2[None, :]
        d2.append(jnp.maximum(pre, 0.0).astype(BF16))

    zrow128 = jnp.zeros((1, 128), BF16)
    d2p = [jnp.concatenate([zrow128, t, zrow128], axis=0) for t in d2]

    patch = jnp.concatenate(
        [d2p[0][1:2049], d2p[1][1:2049], d2p[2][1:2049], d2p[3][1:2049],
         d2p[3][0:2048], d2p[0][2:2050]], axis=1)
    rec = jnp.tanh(_dot(patch, w3s_ref[...]) + db3_ref[...])
    rec_ref[0] = rec


def _decoder(q, idx, zT, we1, wo1, db1, w2s, db2, w3s, db3):
    return pl.pallas_call(
        _dec_body,
        grid=(B,),
        in_specs=[
            pl.BlockSpec((1, M, 128), lambda b: (b, 0, 0)),
            pl.BlockSpec((1, M, 1), lambda b: (b, 0, 0)),
            pl.BlockSpec((1, M, 64), lambda b: (b, 0, 0)),
            pl.BlockSpec((128, 256), lambda b: (0, 0)),
            pl.BlockSpec((128, 256), lambda b: (0, 0)),
            pl.BlockSpec((1, 256), lambda b: (0, 0)),
            pl.BlockSpec((4, 512, 128), lambda b: (0, 0, 0)),
            pl.BlockSpec((1, 128), lambda b: (0, 0)),
            pl.BlockSpec((768, 8), lambda b: (0, 0)),
            pl.BlockSpec((1, 1), lambda b: (0, 0)),
        ],
        out_specs=[
            pl.BlockSpec((1, 64, M), lambda b: (b, 0, 0)),
            pl.BlockSpec((1, M, 8), lambda b: (b, 0, 0)),
            pl.BlockSpec((1, 1), lambda b: (0, 0)),
        ],
        out_shape=[
            jax.ShapeDtypeStruct((B, 64, M), F32),
            jax.ShapeDtypeStruct((B, M, 8), F32),
            jax.ShapeDtypeStruct((1, 1), F32),
        ],
    )(q, idx, zT, we1, wo1, db1, w2s, db2, w3s, db3)



def kernel(x, enc_w1, enc_b1, enc_w2, enc_b2, enc_w3, enc_b3, codebook,
           dec_w1, dec_b1, dec_w2, dec_b2, dec_w3, dec_b3):
    xb = x.reshape(B, 16384).astype(BF16)
    xpad = jnp.pad(xb, ((0, 0), (16, 16)))
    xph = xpad.reshape(B, 2052, 8)

    w1k = enc_w1.reshape(128, 4).T
    w2k = enc_w2.transpose(2, 1, 0).reshape(512, 256).astype(BF16)
    w3k = enc_w3.transpose(2, 1, 0).reshape(1024, 64).astype(BF16)

    zT, zTb, rn = _encoder(xph, w1k, enc_b1.reshape(1, 128),
                           w2k, enc_b2.reshape(1, 256),
                           w3k, enc_b3.reshape(1, 64))

    flatb = zTb.reshape(B * M, 64)
    cbt = codebook.T
    rn2 = rn.reshape(B * M, 1)

    idx_t = _distance_argmin(flatb, cbt, rn2)
    idx = idx_t.reshape(B * M)

    table = codebook.reshape(NUM_EMB // 2, 128)
    rows = _sc_gather(table, jnp.right_shift(idx, 1))
    q = rows.reshape(B, M, 128)

    w1b = dec_w1.astype(BF16)
    we1 = jnp.concatenate([w1b[:, :, 1], w1b[:, :, 3]], axis=0)
    wo1 = jnp.concatenate([w1b[:, :, 2], w1b[:, :, 0]], axis=0)
    w2b = dec_w2.astype(BF16)
    w2s = jnp.stack([
        jnp.concatenate([w2b[:, :, 1], w2b[:, :, 3]], axis=0),
        jnp.concatenate([w2b[:, :, 0], w2b[:, :, 2]], axis=0),
        jnp.concatenate([w2b[:, :, 1], w2b[:, :, 3]], axis=0),
        jnp.concatenate([w2b[:, :, 0], w2b[:, :, 2]], axis=0),
    ])
    w3v = dec_w3[:, 0, :].astype(BF16)
    zcol = jnp.zeros((128,), BF16)
    cols = []
    for s, pairs in enumerate([
        [(0, 1), (4, 3)], [(1, 0), (0, 2)], [(1, 1), (0, 3)],
        [(2, 0), (1, 2)], [(2, 1), (1, 3)], [(3, 0), (2, 2)],
        [(3, 1), (2, 3)], [(5, 0), (3, 2)],
    ]):
        blocks = [zcol] * 6
        for blk, k in pairs:
            blocks[blk] = w3v[:, k]
        cols.append(jnp.concatenate(blocks, axis=0))
    w3s = jnp.stack(cols, axis=1)

    qout, rec, loss = _decoder(q, idx.reshape(B, M, 1), zT, we1, wo1,
                               dec_b1.reshape(1, 256),
                               w2s, dec_b2.reshape(1, 128),
                               w3s, dec_b3.reshape(1, 1))

    x_recon = rec.reshape(B, 1, 16384)
    vq_loss = loss.reshape(())
    return x_recon, vq_loss, qout

# --- scband reference (transcript-rebuilt; emitter-appended) ---
"""Pipeline reference for scband-vqvae-58171037057601 (READ-ONLY COPY).

The authoritative reference and input builder live on the scoring server;
editing this copy changes nothing except your own understanding.
"""

import jax, jax.numpy as jnp
import numpy as np

NUM_EMB = 8192
LATENT = 64
CC = 0.25


def conv1d_same(x, w, b, stride):
    k = w.shape[-1]
    L = x.shape[-1]
    out_len = (L + stride - 1) // stride
    pad_needed = max((out_len - 1) * stride + (k - 1) + 1 - L, 0)
    pl = pad_needed // 2
    pr = pad_needed - pl
    xp = jnp.pad(x, ((0, 0), (0, 0), (pl, pr)))
    y = jax.lax.conv_general_dilated(xp, w, (stride,), [(0, 0)],
                                     dimension_numbers=('NCH', 'OIH', 'NCH'))
    return y + b[None, :, None]


def conv_transpose1d(x, w, b, stride, pad):
    # w is torch ConvTranspose1d layout: (in_ch, out_ch, k)
    k = w.shape[-1]
    w2 = jnp.transpose(jnp.flip(w, axis=2), (1, 0, 2))  # (out_ch, in_ch, k)
    y = jax.lax.conv_general_dilated(x, w2, (1,), [(k - 1 - pad, k - 1 - pad)],
                                     lhs_dilation=(stride,),
                                     dimension_numbers=('NCH', 'OIH', 'NCH'))
    return y + b[None, :, None]


def vector_quantize(z, codebook):
    inputs = jnp.transpose(z, (0, 2, 1))  # (B, T, C)
    B, T, C = inputs.shape
    flat = inputs.reshape(-1, C)
    distances = (jnp.sum(flat ** 2, axis=1, keepdims=True)
                 + jnp.sum(codebook ** 2, axis=1)
                 - 2.0 * (flat @ codebook.T))
    idx = jnp.argmin(distances, axis=1)
    encodings = jax.nn.one_hot(idx, codebook.shape[0], dtype=flat.dtype)
    quantized = (encodings @ codebook).reshape(B, T, C)
    e_latent_loss = jnp.mean((jax.lax.stop_gradient(quantized) - inputs) ** 2)
    q_latent_loss = jnp.mean((quantized - jax.lax.stop_gradient(inputs)) ** 2)
    loss = q_latent_loss + CC * e_latent_loss
    quantized = inputs + jax.lax.stop_gradient(quantized - inputs)
    return loss, jnp.transpose(quantized, (0, 2, 1))


def forward(x, enc_w1, enc_b1, enc_w2, enc_b2, enc_w3, enc_b3, codebook,
            dec_w1, dec_b1, dec_w2, dec_b2, dec_w3, dec_b3):
    h = jax.nn.relu(conv1d_same(x, enc_w1, enc_b1, 2))
    h = jax.nn.relu(conv1d_same(h, enc_w2, enc_b2, 2))
    z = jax.nn.relu(conv1d_same(h, enc_w3, enc_b3, 2))
    vq_loss, quantized = vector_quantize(z, codebook)
    d = jax.nn.relu(conv_transpose1d(quantized, dec_w1, dec_b1, 2, 1))
    d = jax.nn.relu(conv_transpose1d(d, dec_w2, dec_b2, 2, 1))
    x_recon = jnp.tanh(conv_transpose1d(d, dec_w3, dec_b3, 2, 1))
    # L=16384 divisible by 8 -> recon length equals input length; interpolation branch not taken
    return x_recon, vq_loss, quantized


def setup_inputs(seed: int = 0):
    key = jax.random.key(seed)
    ks = jax.random.split(key, 10)
    B, L = 4, 16384
    x = jax.random.normal(ks[0], (B, 1, L), dtype=jnp.float32)
    enc_w1 = jax.random.normal(ks[1], (128, 1, 4), dtype=jnp.float32) * 0.1
    enc_b1 = jnp.zeros((128,), jnp.float32)
    enc_w2 = jax.random.normal(ks[2], (256, 128, 4), dtype=jnp.float32) * 0.04
    enc_b2 = jnp.zeros((256,), jnp.float32)
    enc_w3 = jax.random.normal(ks[3], (LATENT, 256, 4), dtype=jnp.float32) * 0.03
    enc_b3 = jnp.zeros((LATENT,), jnp.float32)
    codebook = jax.random.uniform(ks[4], (NUM_EMB, LATENT), jnp.float32,
                                  -1.0 / NUM_EMB, 1.0 / NUM_EMB)
    dec_w1 = jax.random.normal(ks[5], (LATENT, 256, 4), dtype=jnp.float32) * 0.06
    dec_b1 = jnp.zeros((256,), jnp.float32)
    dec_w2 = jax.random.normal(ks[6], (256, 128, 4), dtype=jnp.float32) * 0.03
    dec_b2 = jnp.zeros((128,), jnp.float32)
    dec_w3 = jax.random.normal(ks[7], (128, 1, 4), dtype=jnp.float32) * 0.04
    dec_b3 = jnp.zeros((1,), jnp.float32)
    return {"x": x, "enc_w1": enc_w1, "enc_b1": enc_b1, "enc_w2": enc_w2,
            "enc_b2": enc_b2, "enc_w3": enc_w3, "enc_b3": enc_b3,
            "codebook": codebook, "dec_w1": dec_w1, "dec_b1": dec_b1,
            "dec_w2": dec_w2, "dec_b2": dec_b2, "dec_w3": dec_w3, "dec_b3": dec_b3}


def reference(x, enc_w1, enc_b1, enc_w2, enc_b2, enc_w3, enc_b3, codebook,
              dec_w1, dec_b1, dec_w2, dec_b2, dec_w3, dec_b3):
    return forward(x, enc_w1, enc_b1, enc_w2, enc_b2, enc_w3, enc_b3, codebook,
                   dec_w1, dec_b1, dec_w2, dec_b2, dec_w3, dec_b3)

if __name__ == "__main__":
    import jax
    _d = setup_inputs()
    print(jax.jit(kernel)(*tuple(_d.values())))

</pallas_src>

<mosaic_0001>
#map = affine_map<(d0, d1) -> (0, 0)>
#map1 = affine_map<(d0, d1) -> (0)>
module attributes {stable_mosaic.version = 14 : i64} {
  func.func @body(%arg0: i32, %arg1: i32, %arg2: memref<4096x128xf32, #tpu.memory_space<hbm>>, %arg3: memref<8192xi32, #tpu.memory_space<hbm>>, %arg4: memref<8192x128xf32, #tpu.memory_space<hbm>>, %arg5: memref<256xi32, #tpu.memory_space<vmem>>, %arg6: memref<256x128xf32, #tpu.memory_space<vmem>>, %arg7: memref<!tpu.dma_semaphore, #tpu.memory_space<semaphore_mem>>) attributes {dimension_semantics = [#tpu.dimension_semantics<core_parallel>, #tpu.dimension_semantics<subcore_parallel>], iteration_bounds = array<i64: 2, 16>, scalar_prefetch = 0 : i64, scratch_operands = 3 : i64, tpu.core_type = #tpu.core_type<sc_vector_subcore>, window_params = [{transform_indices = #map}, {transform_indices = #map1}, {transform_indices = #map}]} {
    %mul3A = arith.constant 2 : i32
    %mul3A_0 = arith.muli %arg1, %mul3A : i32
    %add3A = arith.addi %mul3A_0, %arg0 : i32
    %mul3A_1 = arith.constant 256 : i32
    %mul3A_2 = arith.muli %add3A, %mul3A_1 : i32
    "tpu.region"() ({
      %run_scoped3A = tpu.sem_alloc : memref<!tpu.dma_semaphore, #tpu.memory_space<semaphore_mem>>
      %dma_start3A_7 = tpu.memref_slice %arg3[%mul3A_2] : memref<8192xi32, #tpu.memory_space<hbm>> -> memref<256xi32, #tpu.memory_space<hbm>>
      %dma_start3A_8 = tpu.memref_slice %arg3[%mul3A_2] : memref<8192xi32, #tpu.memory_space<hbm>> -> memref<256xi32, #tpu.memory_space<hbm>>
      tpu.enqueue_dma source(%dma_start3A_8 : memref<256xi32, #tpu.memory_space<hbm>>) target(%arg5 : memref<256xi32, #tpu.memory_space<vmem>>) target_semaphore(%run_scoped3A : memref<!tpu.dma_semaphore, #tpu.memory_space<semaphore_mem>>)
      %dma_wait3A_9 = tpu.memref_slice %arg3[%mul3A_2] : memref<8192xi32, #tpu.memory_space<hbm>> -> memref<256xi32, #tpu.memory_space<hbm>>
      %dma_wait3A_10 = tpu.memref_slice %arg3[%mul3A_2] : memref<8192xi32, #tpu.memory_space<hbm>> -> memref<256xi32, #tpu.memory_space<hbm>>
      tpu.wait_dma2 semaphore(%run_scoped3A : memref<!tpu.dma_semaphore, #tpu.memory_space<semaphore_mem>>) src(%dma_wait3A_10 : memref<256xi32, #tpu.memory_space<hbm>>) dst(%arg5 : memref<256xi32, #tpu.memory_space<vmem>>)
      tpu.yield
    }) : () -> ()
    %dma_start3A = arith.constant 0 : i32
    %dma_start3A_3 = arith.constant 0 : i32
    %dma_start3A_4 = tpu.memref_slice %arg2[%dma_start3A, %dma_start3A_3] : memref<4096x128xf32, #tpu.memory_space<hbm>> -> memref<4096x128xf32, #tpu.memory_space<hbm>>
    tpu.enqueue_indirect_dma source(%dma_start3A_4 : memref<4096x128xf32, #tpu.memory_space<hbm>>) target(%arg6 : memref<256x128xf32, #tpu.memory_space<vmem>>) offsets(%arg5 : memref<256xi32, #tpu.memory_space<vmem>>) semaphore(%arg7 : memref<!tpu.dma_semaphore, #tpu.memory_space<semaphore_mem>>)
    %dma_wait3A = arith.constant 0 : i32
    %dma_wait3A_5 = arith.constant 0 : i32
    %dma_wait3A_6 = tpu.memref_slice %arg2[%dma_wait3A, %dma_wait3A_5] : memref<4096x128xf32, #tpu.memory_space<hbm>> -> memref<4096x128xf32, #tpu.memory_space<hbm>>
    tpu.wait_indirect_dma semaphore(%arg7 : memref<!tpu.dma_semaphore, #tpu.memory_space<semaphore_mem>>) src(%dma_wait3A_6 : memref<4096x128xf32, #tpu.memory_space<hbm>>) dst(%arg6 : memref<256x128xf32, #tpu.memory_space<vmem>>)
    "tpu.region"() ({
      %run_scoped3A = tpu.sem_alloc : memref<!tpu.dma_semaphore, #tpu.memory_space<semaphore_mem>>
      %dma_start3A_7 = arith.constant 0 : i32
      %dma_start3A_8 = tpu.memref_slice %arg4[%mul3A_2, %dma_start3A_7] : memref<8192x128xf32, #tpu.memory_space<hbm>> -> memref<256x128xf32, #tpu.memory_space<hbm>>
      %dma_start3A_9 = arith.constant 0 : i32
      %dma_start3A_10 = tpu.memref_slice %arg4[%mul3A_2, %dma_start3A_9] : memref<8192x128xf32, #tpu.memory_space<hbm>> -> memref<256x128xf32, #tpu.memory_space<hbm>>
      tpu.enqueue_dma source(%arg6 : memref<256x128xf32, #tpu.memory_space<vmem>>) target(%dma_start3A_10 : memref<256x128xf32, #tpu.memory_space<hbm>>) target_semaphore(%run_scoped3A : memref<!tpu.dma_semaphore, #tpu.memory_space<semaphore_mem>>)
      %dma_wait3A_11 = arith.constant 0 : i32
      %dma_wait3A_12 = tpu.memref_slice %arg4[%mul3A_2, %dma_wait3A_11] : memref<8192x128xf32, #tpu.memory_space<hbm>> -> memref<256x128xf32, #tpu.memory_space<hbm>>
      %dma_wait3A_13 = arith.constant 0 : i32
      %dma_wait3A_14 = tpu.memref_slice %arg4[%mul3A_2, %dma_wait3A_13] : memref<8192x128xf32, #tpu.memory_space<hbm>> -> memref<256x128xf32, #tpu.memory_space<hbm>>
      tpu.wait_dma2 semaphore(%run_scoped3A : memref<!tpu.dma_semaphore, #tpu.memory_space<semaphore_mem>>) src(%arg6 : memref<256x128xf32, #tpu.memory_space<vmem>>) dst(%dma_wait3A_14 : memref<256x128xf32, #tpu.memory_space<hbm>>)
      tpu.yield
    }) : () -> ()
    return
  }
}

module attributes {stable_mosaic.version = 14 : i64} {
  func.func @_enc_body(%arg0: i32, %arg1: memref<1x2052x8xbf16, #tpu.memory_space<vmem>>, %arg2: memref<4x128xf32, #tpu.memory_space<vmem>>, %arg3: memref<1x128xf32, #tpu.memory_space<vmem>>, %arg4: memref<512x256xbf16, #tpu.memory_space<vmem>>, %arg5: memref<1x256xf32, #tpu.memory_space<vmem>>, %arg6: memref<1024x64xbf16, #tpu.memory_space<vmem>>, %arg7: memref<1x64xf32, #tpu.memory_space<vmem>>, %arg8: memref<1x2048x64xf32, #tpu.memory_space<vmem>>, %arg9: memref<1x2048x64xbf16, #tpu.memory_space<vmem>>, %arg10: memref<1x1x2048xf32, #tpu.memory_space<vmem>>) attributes {dimension_semantics = [#tpu.dimension_semantics<arbitrary>], iteration_bounds = array<i64: 4>, scalar_prefetch = 0 : i64, scratch_operands = 0 : i64, tpu.core_type = #tpu.core_type<tc>, window_params = [{transform_indices = @transform_0, window_bounds = array<i64: 1, 2052, 8>}, {pipeline_mode = #tpu.pipeline_mode<synchronous>, transform_indices = @transform_1, window_bounds = array<i64: 4, 128>}, {pipeline_mode = #tpu.pipeline_mode<synchronous>, transform_indices = @transform_2, window_bounds = array<i64: 1, 128>}, {pipeline_mode = #tpu.pipeline_mode<synchronous>, transform_indices = @transform_3, window_bounds = array<i64: 512, 256>}, {pipeline_mode = #tpu.pipeline_mode<synchronous>, transform_indices = @transform_4, window_bounds = array<i64: 1, 256>}, {pipeline_mode = #tpu.pipeline_mode<synchronous>, transform_indices = @transform_5, window_bounds = array<i64: 1024, 64>}, {pipeline_mode = #tpu.pipeline_mode<synchronous>, transform_indices = @transform_6, window_bounds = array<i64: 1, 64>}, {transform_indices = @transform_7, window_bounds = array<i64: 1, 2048, 64>}, {transform_indices = @transform_8, window_bounds = array<i64: 1, 2048, 64>}, {transform_indices = @transform_9, window_bounds = array<i64: 1, 1, 2048>}]} {
    %get3A = arith.constant 0 : index
    %get3A_0 = arith.constant 0 : index
    %get3A_1 = arith.constant 0 : index
    %get3A_2 = vector.load %arg1[%get3A, %get3A_0, %get3A_1] : memref<1x2052x8xbf16, #tpu.memory_space<vmem>>, vector<1x2052x8xbf16>
    %get3A_3 = vector.shape_cast %get3A_2 : vector<1x2052x8xbf16> to vector<2052x8xbf16>
    %get3A_4 = arith.constant 0 : index
    %get3A_5 = arith.constant 0 : index
    %get3A_6 = vector.load %arg3[%get3A_4, %get3A_5] : memref<1x128xf32, #tpu.memory_space<vmem>>, vector<1x128xf32>
    %get3A_7 = vector.shape_cast %get3A_6 : vector<1x128xf32> to vector<128xf32>
    %get3A_8 = arith.constant 0 : index
    %get3A_9 = arith.constant 0 : index
    %get3A_10 = vector.load %arg5[%get3A_8, %get3A_9] : memref<1x256xf32, #tpu.memory_space<vmem>>, vector<1x256xf32>
    %get3A_11 = vector.shape_cast %get3A_10 : vector<1x256xf32> to vector<256xf32>
    %get3A_12 = arith.constant 0 : index
    %get3A_13 = arith.constant 0 : index
    %get3A_14 = vector.load %arg7[%get3A_12, %get3A_13] : memref<1x64xf32, #tpu.memory_space<vmem>>, vector<1x64xf32>
    %get3A_15 = vector.shape_cast %get3A_14 : vector<1x64xf32> to vector<64xf32>
    %iota3A = tpu.iota {dimensions = array<i32: 0>} : vector<2050x1xi32>
    %eq3A = arith.constant 0 : i32
    %eq3A_16 = vector.broadcast %eq3A : i32 to vector<2050x1xi32>
    %eq3A_17 = arith.cmpi eq, %iota3A, %eq3A_16 : vector<2050x1xi32>
    %eq3A_18 = arith.constant 2049 : i32
    %eq3A_19 = vector.broadcast %eq3A_18 : i32 to vector<2050x1xi32>
    %eq3A_20 = arith.cmpi eq, %iota3A, %eq3A_19 : vector<2050x1xi32>
    %or3A = arith.ori %eq3A_17, %eq3A_20 : vector<2050x1xi1>
    %slice3A = vector.extract_strided_slice %get3A_3 {offsets = [0, 7], sizes = [2050, 1], strides = [1, 1]} : vector<2052x8xbf16> to vector<2050x1xbf16>
    %slice3A_21 = vector.extract_strided_slice %get3A_3 {offsets = [1, 0], sizes = [2050, 1], strides = [1, 1]} : vector<2052x8xbf16> to vector<2050x1xbf16>
    %slice3A_22 = vector.extract_strided_slice %get3A_3 {offsets = [1, 1], sizes = [2050, 1], strides = [1, 1]} : vector<2052x8xbf16> to vector<2050x1xbf16>
    %slice3A_23 = vector.extract_strided_slice %get3A_3 {offsets = [1, 2], sizes = [2050, 1], strides = [1, 1]} : vector<2052x8xbf16> to vector<2050x1xbf16>
    %concatenate3A = tpu.concatenate %slice3A, %slice3A_21, %slice3A_22, %slice3A_23 in 1 : vector<2050x1xbf16>, vector<2050x1xbf16>, vector<2050x1xbf16>, vector<2050x1xbf16> -> vector<2050x4xbf16>
    %convert_element_type3A = arith.extf %concatenate3A : vector<2050x4xbf16> to vector<2050x4xf32>
    %get3A_24 = arith.constant 0 : index
    %get3A_25 = arith.constant 0 : index
    %get3A_26 = vector.load %arg2[%get3A_24, %get3A_25] : memref<4x128xf32, #tpu.memory_space<vmem>>, vector<4x128xf32>
    %dot_general3A = arith.constant dense<0.000000e+00> : vector<2050x128xf32>
    %dot_general3A_27 = tpu.matmul %convert_element_type3A, %get3A_26, %dot_general3A {dimension_numbers = #tpu.dot_dimension_numbers<[1], [0], [0], [1], [0, 0, 1, 1], [], []>, transpose_lhs_hint = false} : vector<2050x4xf32>, vector<4x128xf32>, vector<2050x128xf32> -> vector<2050x128xf32>
    %broadcast_in_dim3A = vector.shape_cast %get3A_7 : vector<128xf32> to vector<1x128xf32>
    %add3A = vector.broadcast %broadcast_in_dim3A : vector<1x128xf32> to vector<2050x128xf32>
    %add3A_28 = arith.addf %dot_general3A_27, %add3A : vector<2050x128xf32>
    %max3A = arith.constant 0.000000e+00 : f32
    %max3A_29 = vector.broadcast %max3A : f32 to vector<2050x128xf32>
    %max3A_30 = arith.maximumf %add3A_28, %max3A_29 : vector<2050x128xf32>
    %jit3A = arith.constant 0.000000e+00 : f32
    %broadcast_in_dim3A_31 = vector.shape_cast %or3A : vector<2050x1xi1> to vector<2050x1xi1>
    %broadcast_in_dim3A_32 = vector.broadcast %broadcast_in_dim3A_31 : vector<2050x1xi1> to vector<2050x128xi1>
    %broadcast_in_dim3A_33 = vector.broadcast %jit3A : f32 to vector<2050x128xf32>
    %select_n3A = arith.select %broadcast_in_dim3A_32, %broadcast_in_dim3A_33, %max3A_30 : vector<2050x128xi1>, vector<2050x128xf32>
    %convert_element_type3A_34 = arith.truncf %select_n3A : vector<2050x128xf32> to vector<2050x128xbf16>
    %slice3A_35 = vector.extract_strided_slice %get3A_3 {offsets = [1, 1], sizes = [2050, 1], strides = [1, 1]} : vector<2052x8xbf16> to vector<2050x1xbf16>
    %slice3A_36 = vector.extract_strided_slice %get3A_3 {offsets = [1, 2], sizes = [2050, 1], strides = [1, 1]} : vector<2052x8xbf16> to vector<2050x1xbf16>
    %slice3A_37 = vector.extract_strided_slice %get3A_3 {offsets = [1, 3], sizes = [2050, 1], strides = [1, 1]} : vector<2052x8xbf16> to vector<2050x1xbf16>
    %slice3A_38 = vector.extract_strided_slice %get3A_3 {offsets = [1, 4], sizes = [2050, 1], strides = [1, 1]} : vector<2052x8xbf16> to vector<2050x1xbf16>
    %concatenate3A_39 = tpu.concatenate %slice3A_35, %slice3A_36, %slice3A_37, %slice3A_38 in 1 : vector<2050x1xbf16>, vector<2050x1xbf16>, vector<2050x1xbf16>, vector<2050x1xbf16> -> vector<2050x4xbf16>
    %convert_element_type3A_40 = arith.extf %concatenate3A_39 : vector<2050x4xbf16> to vector<2050x4xf32>
    %get3A_41 = arith.constant 0 : index
    %get3A_42 = arith.constant 0 : index
    %get3A_43 = vector.load %arg2[%get3A_41, %get3A_42] : memref<4x128xf32, #tpu.memory_space<vmem>>, vector<4x128xf32>
    %dot_general3A_44 = arith.constant dense<0.000000e+00> : vector<2050x128xf32>
    %dot_general3A_45 = tpu.matmul %convert_element_type3A_40, %get3A_43, %dot_general3A_44 {dimension_numbers = #tpu.dot_dimension_numbers<[1], [0], [0], [1], [0, 0, 1, 1], [], []>, transpose_lhs_hint = false} : vector<2050x4xf32>, vector<4x128xf32>, vector<2050x128xf32> -> vector<2050x128xf32>
    %broadcast_in_dim3A_46 = vector.shape_cast %get3A_7 : vector<128xf32> to vector<1x128xf32>
    %add3A_47 = vector.broadcast %broadcast_in_dim3A_46 : vector<1x128xf32> to vector<2050x128xf32>
    %add3A_48 = arith.addf %dot_general3A_45, %add3A_47 : vector<2050x128xf32>
    %max3A_49 = arith.constant 0.000000e+00 : f32
    %max3A_50 = vector.broadcast %max3A_49 : f32 to vector<2050x128xf32>
    %max3A_51 = arith.maximumf %add3A_48, %max3A_50 : vector<2050x128xf32>
    %jit3A_52 = arith.constant 0.000000e+00 : f32
    %broadcast_in_dim3A_53 = vector.shape_cast %or3A : vector<2050x1xi1> to vector<2050x1xi1>
    %broadcast_in_dim3A_54 = vector.broadcast %broadcast_in_dim3A_53 : vector<2050x1xi1> to vector<2050x128xi1>
    %broadcast_in_dim3A_55 = vector.broadcast %jit3A_52 : f32 to vector<2050x128xf32>
    %select_n3A_56 = arith.select %broadcast_in_dim3A_54, %broadcast_in_dim3A_55, %max3A_51 : vector<2050x128xi1>, vector<2050x128xf32>
    %convert_element_type3A_57 = arith.truncf %select_n3A_56 : vector<2050x128xf32> to vector<2050x128xbf16>
    %slice3A_58 = vector.extract_strided_slice %get3A_3 {offsets = [1, 3], sizes = [2050, 1], strides = [1, 1]} : vector<2052x8xbf16> to vector<2050x1xbf16>
    %slice3A_59 = vector.extract_strided_slice %get3A_3 {offsets = [1, 4], sizes = [2050, 1], strides = [1, 1]} : vector<2052x8xbf16> to vector<2050x1xbf16>
    %slice3A_60 = vector.extract_strided_slice %get3A_3 {offsets = [1, 5], sizes = [2050, 1], strides = [1, 1]} : vector<2052x8xbf16> to vector<2050x1xbf16>
    %slice3A_61 = vector.extract_strided_slice %get3A_3 {offsets = [1, 6], sizes = [2050, 1], strides = [1, 1]} : vector<2052x8xbf16> to vector<2050x1xbf16>
    %concatenate3A_62 = tpu.concatenate %slice3A_58, %slice3A_59, %slice3A_60, %slice3A_61 in 1 : vector<2050x1xbf16>, vector<2050x1xbf16>, vector<2050x1xbf16>, vector<2050x1xbf16> -> vector<2050x4xbf16>
    %convert_element_type3A_63 = arith.extf %concatenate3A_62 : vector<2050x4xbf16> to vector<2050x4xf32>
    %get3A_64 = arith.constant 0 : index
    %get3A_65 = arith.constant 0 : index
    %get3A_66 = vector.load %arg2[%get3A_64, %get3A_65] : memref<4x128xf32, #tpu.memory_space<vmem>>, vector<4x128xf32>
    %dot_general3A_67 = arith.constant dense<0.000000e+00> : vector<2050x128xf32>
    %dot_general3A_68 = tpu.matmul %convert_element_type3A_63, %get3A_66, %dot_general3A_67 {dimension_numbers = #tpu.dot_dimension_numbers<[1], [0], [0], [1], [0, 0, 1, 1], [], []>, transpose_lhs_hint = false} : vector<2050x4xf32>, vector<4x128xf32>, vector<2050x128xf32> -> vector<2050x128xf32>
    %broadcast_in_dim3A_69 = vector.shape_cast %get3A_7 : vector<128xf32> to vector<1x128xf32>
    %add3A_70 = vector.broadcast %broadcast_in_dim3A_69 : vector<1x128xf32> to vector<2050x128xf32>
    %add3A_71 = arith.addf %dot_general3A_68, %add3A_70 : vector<2050x128xf32>
    %max3A_72 = arith.constant 0.000000e+00 : f32
    %max3A_73 = vector.broadcast %max3A_72 : f32 to vector<2050x128xf32>
    %max3A_74 = arith.maximumf %add3A_71, %max3A_73 : vector<2050x128xf32>
    %jit3A_75 = arith.constant 0.000000e+00 : f32
    %broadcast_in_dim3A_76 = vector.shape_cast %or3A : vector<2050x1xi1> to vector<2050x1xi1>
    %broadcast_in_dim3A_77 = vector.broadcast %broadcast_in_dim3A_76 : vector<2050x1xi1> to vector<2050x128xi1>
    %broadcast_in_dim3A_78 = vector.broadcast %jit3A_75 : f32 to vector<2050x128xf32>
    %select_n3A_79 = arith.select %broadcast_in_dim3A_77, %broadcast_in_dim3A_78, %max3A_74 : vector<2050x128xi1>, vector<2050x128xf32>
    %convert_element_type3A_80 = arith.truncf %select_n3A_79 : vector<2050x128xf32> to vector<2050x128xbf16>
    %slice3A_81 = vector.extract_strided_slice %get3A_3 {offsets = [1, 5], sizes = [2050, 1], strides = [1, 1]} : vector<2052x8xbf16> to vector<2050x1xbf16>
    %slice3A_82 = vector.extract_strided_slice %get3A_3 {offsets = [1, 6], sizes = [2050, 1], strides = [1, 1]} : vector<2052x8xbf16> to vector<2050x1xbf16>
    %slice3A_83 = vector.extract_strided_slice %get3A_3 {offsets = [1, 7], sizes = [2050, 1], strides = [1, 1]} : vector<2052x8xbf16> to vector<2050x1xbf16>
    %slice3A_84 = vector.extract_strided_slice %get3A_3 {offsets = [2, 0], sizes = [2050, 1], strides = [1, 1]} : vector<2052x8xbf16> to vector<2050x1xbf16>
    %concatenate3A_85 = tpu.concatenate %slice3A_81, %slice3A_82, %slice3A_83, %slice3A_84 in 1 : vector<2050x1xbf16>, vector<2050x1xbf16>, vector<2050x1xbf16>, vector<2050x1xbf16> -> vector<2050x4xbf16>
    %convert_element_type3A_86 = arith.extf %concatenate3A_85 : vector<2050x4xbf16> to vector<2050x4xf32>
    %get3A_87 = arith.constant 0 : index
    %get3A_88 = arith.constant 0 : index
    %get3A_89 = vector.load %arg2[%get3A_87, %get3A_88] : memref<4x128xf32, #tpu.memory_space<vmem>>, vector<4x128xf32>
    %dot_general3A_90 = arith.constant dense<0.000000e+00> : vector<2050x128xf32>
    %dot_general3A_91 = tpu.matmul %convert_element_type3A_86, %get3A_89, %dot_general3A_90 {dimension_numbers = #tpu.dot_dimension_numbers<[1], [0], [0], [1], [0, 0, 1, 1], [], []>, transpose_lhs_hint = false} : vector<2050x4xf32>, vector<4x128xf32>, vector<2050x128xf32> -> vector<2050x128xf32>
    %broadcast_in_dim3A_92 = vector.shape_cast %get3A_7 : vector<128xf32> to vector<1x128xf32>
    %add3A_93 = vector.broadcast %broadcast_in_dim3A_92 : vector<1x128xf32> to vector<2050x128xf32>
    %add3A_94 = arith.addf %dot_general3A_91, %add3A_93 : vector<2050x128xf32>
    %max3A_95 = arith.constant 0.000000e+00 : f32
    %max3A_96 = vector.broadcast %max3A_95 : f32 to vector<2050x128xf32>
    %max3A_97 = arith.maximumf %add3A_94, %max3A_96 : vector<2050x128xf32>
    %jit3A_98 = arith.constant 0.000000e+00 : f32
    %broadcast_in_dim3A_99 = vector.shape_cast %or3A : vector<2050x1xi1> to vector<2050x1xi1>
    %broadcast_in_dim3A_100 = vector.broadcast %broadcast_in_dim3A_99 : vector<2050x1xi1> to vector<2050x128xi1>
    %broadcast_in_dim3A_101 = vector.broadcast %jit3A_98 : f32 to vector<2050x128xf32>
    %select_n3A_102 = arith.select %broadcast_in_dim3A_100, %broadcast_in_dim3A_101, %max3A_97 : vector<2050x128xi1>, vector<2050x128xf32>
    %convert_element_type3A_103 = arith.truncf %select_n3A_102 : vector<2050x128xf32> to vector<2050x128xbf16>
    %broadcast_in_dim3A_104 = arith.constant 0.000000e+00 : bf16
    %broadcast_in_dim3A_105 = vector.broadcast %broadcast_in_dim3A_104 : bf16 to vector<1x256xbf16>
    %slice3A_106 = vector.extract_strided_slice %convert_element_type3A_103 {offsets = [0, 0], sizes = [2048, 128], strides = [1, 1]} : vector<2050x128xbf16> to vector<2048x128xbf16>
    %slice3A_107 = vector.extract_strided_slice %convert_element_type3A_34 {offsets = [1, 0], sizes = [2048, 128], strides = [1, 1]} : vector<2050x128xbf16> to vector<2048x128xbf16>
    %slice3A_108 = vector.extract_strided_slice %convert_element_type3A_57 {offsets = [1, 0], sizes = [2048, 128], strides = [1, 1]} : vector<2050x128xbf16> to vector<2048x128xbf16>
    %slice3A_109 = vector.extract_strided_slice %convert_element_type3A_80 {offsets = [1, 0], sizes = [2048, 128], strides = [1, 1]} : vector<2050x128xbf16> to vector<2048x128xbf16>
    %concatenate3A_110 = tpu.concatenate %slice3A_106, %slice3A_107, %slice3A_108, %slice3A_109 in 1 : vector<2048x128xbf16>, vector<2048x128xbf16>, vector<2048x128xbf16>, vector<2048x128xbf16> -> vector<2048x512xbf16>
    %get3A_111 = arith.constant 0 : index
    %get3A_112 = arith.constant 0 : index
    %get3A_113 = vector.load %arg4[%get3A_111, %get3A_112] : memref<512x256xbf16, #tpu.memory_space<vmem>>, vector<512x256xbf16>
    %dot_general3A_114 = arith.constant dense<0.000000e+00> : vector<2048x256xf32>
    %dot_general3A_115 = tpu.matmul %concatenate3A_110, %get3A_113, %dot_general3A_114 {dimension_numbers = #tpu.dot_dimension_numbers<[1], [0], [0], [1], [0, 0, 1, 1], [], []>, transpose_lhs_hint = false} : vector<2048x512xbf16>, vector<512x256xbf16>, vector<2048x256xf32> -> vector<2048x256xf32>
    %broadcast_in_dim3A_116 = vector.shape_cast %get3A_11 : vector<256xf32> to vector<1x256xf32>
    %add3A_117 = vector.broadcast %broadcast_in_dim3A_116 : vector<1x256xf32> to vector<2048x256xf32>
    %add3A_118 = arith.addf %dot_general3A_115, %add3A_117 : vector<2048x256xf32>
    %max3A_119 = arith.constant 0.000000e+00 : f32
    %max3A_120 = vector.broadcast %max3A_119 : f32 to vector<2048x256xf32>
    %max3A_121 = arith.maximumf %add3A_118, %max3A_120 : vector<2048x256xf32>
    %convert_element_type3A_122 = arith.truncf %max3A_121 : vector<2048x256xf32> to vector<2048x256xbf16>
    %concatenate3A_123 = tpu.concatenate %broadcast_in_dim3A_105, %convert_element_type3A_122, %broadcast_in_dim3A_105 in 0 : vector<1x256xbf16>, vector<2048x256xbf16>, vector<1x256xbf16> -> vector<2050x256xbf16>
    %slice3A_124 = vector.extract_strided_slice %convert_element_type3A_57 {offsets = [1, 0], sizes = [2048, 128], strides = [1, 1]} : vector<2050x128xbf16> to vector<2048x128xbf16>
    %slice3A_125 = vector.extract_strided_slice %convert_element_type3A_80 {offsets = [1, 0], sizes = [2048, 128], strides = [1, 1]} : vector<2050x128xbf16> to vector<2048x128xbf16>
    %slice3A_126 = vector.extract_strided_slice %convert_element_type3A_103 {offsets = [1, 0], sizes = [2048, 128], strides = [1, 1]} : vector<2050x128xbf16> to vector<2048x128xbf16>
    %slice3A_127 = vector.extract_strided_slice %convert_element_type3A_34 {offsets = [2, 0], sizes = [2048, 128], strides = [1, 1]} : vector<2050x128xbf16> to vector<2048x128xbf16>
    %concatenate3A_128 = tpu.concatenate %slice3A_124, %slice3A_125, %slice3A_126, %slice3A_127 in 1 : vector<2048x128xbf16>, vector<2048x128xbf16>, vector<2048x128xbf16>, vector<2048x128xbf16> -> vector<2048x512xbf16>
    %get3A_129 = arith.constant 0 : index
    %get3A_130 = arith.constant 0 : index
    %get3A_131 = vector.load %arg4[%get3A_129, %get3A_130] : memref<512x256xbf16, #tpu.memory_space<vmem>>, vector<512x256xbf16>
    %dot_general3A_132 = arith.constant dense<0.000000e+00> : vector<2048x256xf32>
    %dot_general3A_133 = tpu.matmul %concatenate3A_128, %get3A_131, %dot_general3A_132 {dimension_numbers = #tpu.dot_dimension_numbers<[1], [0], [0], [1], [0, 0, 1, 1], [], []>, transpose_lhs_hint = false} : vector<2048x512xbf16>, vector<512x256xbf16>, vector<2048x256xf32> -> vector<2048x256xf32>
    %broadcast_in_dim3A_134 = vector.shape_cast %get3A_11 : vector<256xf32> to vector<1x256xf32>
    %add3A_135 = vector.broadcast %broadcast_in_dim3A_134 : vector<1x256xf32> to vector<2048x256xf32>
    %add3A_136 = arith.addf %dot_general3A_133, %add3A_135 : vector<2048x256xf32>
    %max3A_137 = arith.constant 0.000000e+00 : f32
    %max3A_138 = vector.broadcast %max3A_137 : f32 to vector<2048x256xf32>
    %max3A_139 = arith.maximumf %add3A_136, %max3A_138 : vector<2048x256xf32>
    %convert_element_type3A_140 = arith.truncf %max3A_139 : vector<2048x256xf32> to vector<2048x256xbf16>
    %concatenate3A_141 = tpu.concatenate %broadcast_in_dim3A_105, %convert_element_type3A_140, %broadcast_in_dim3A_105 in 0 : vector<1x256xbf16>, vector<2048x256xbf16>, vector<1x256xbf16> -> vector<2050x256xbf16>
    %slice3A_142 = vector.extract_strided_slice %concatenate3A_141 {offsets = [0, 0], sizes = [2048, 256], strides = [1, 1]} : vector<2050x256xbf16> to vector<2048x256xbf16>
    %slice3A_143 = vector.extract_strided_slice %concatenate3A_123 {offsets = [1, 0], sizes = [2048, 256], strides = [1, 1]} : vector<2050x256xbf16> to vector<2048x256xbf16>
    %slice3A_144 = vector.extract_strided_slice %concatenate3A_141 {offsets = [1, 0], sizes = [2048, 256], strides = [1, 1]} : vector<2050x256xbf16> to vector<2048x256xbf16>
    %slice3A_145 = vector.extract_strided_slice %concatenate3A_123 {offsets = [2, 0], sizes = [2048, 256], strides = [1, 1]} : vector<2050x256xbf16> to vector<2048x256xbf16>
    %get3A_146 = arith.constant 0 : index
    %get3A_147 = arith.constant 0 : index
    %get3A_148 = vector.load %arg6[%get3A_146, %get3A_147] : memref<1024x64xbf16, #tpu.memory_space<vmem>>, vector<1024x64xbf16>
    %slice3A_149 = vector.extract_strided_slice %get3A_148 {offsets = [0, 0], sizes = [256, 64], strides = [1, 1]} : vector<1024x64xbf16> to vector<256x64xbf16>
    %dot_general3A_150 = arith.constant dense<0.000000e+00> : vector<2048x64xf32>
    %dot_general3A_151 = tpu.matmul %slice3A_142, %slice3A_149, %dot_general3A_150 {dimension_numbers = #tpu.dot_dimension_numbers<[1], [0], [0], [1], [0, 0, 1, 1], [], []>, transpose_lhs_hint = false} : vector<2048x256xbf16>, vector<256x64xbf16>, vector<2048x64xf32> -> vector<2048x64xf32>
    %slice3A_152 = vector.extract_strided_slice %get3A_148 {offsets = [256, 0], sizes = [256, 64], strides = [1, 1]} : vector<1024x64xbf16> to vector<256x64xbf16>
    %dot_general3A_153 = arith.constant dense<0.000000e+00> : vector<2048x64xf32>
    %dot_general3A_154 = tpu.matmul %slice3A_143, %slice3A_152, %dot_general3A_153 {dimension_numbers = #tpu.dot_dimension_numbers<[1], [0], [0], [1], [0, 0, 1, 1], [], []>, transpose_lhs_hint = false} : vector<2048x256xbf16>, vector<256x64xbf16>, vector<2048x64xf32> -> vector<2048x64xf32>
    %slice3A_155 = vector.extract_strided_slice %get3A_148 {offsets = [512, 0], sizes = [256, 64], strides = [1, 1]} : vector<1024x64xbf16> to vector<256x64xbf16>
    %dot_general3A_156 = arith.constant dense<0.000000e+00> : vector<2048x64xf32>
    %dot_general3A_157 = tpu.matmul %slice3A_144, %slice3A_155, %dot_general3A_156 {dimension_numbers = #tpu.dot_dimension_numbers<[1], [0], [0], [1], [0, 0, 1, 1], [], []>, transpose_lhs_hint = false} : vector<2048x256xbf16>, vector<256x64xbf16>, vector<2048x64xf32> -> vector<2048x64xf32>
    %slice3A_158 = vector.extract_strided_slice %get3A_148 {offsets = [768, 0], sizes = [256, 64], strides = [1, 1]} : vector<1024x64xbf16> to vector<256x64xbf16>
    %dot_general3A_159 = arith.constant dense<0.000000e+00> : vector<2048x64xf32>
    %dot_general3A_160 = tpu.matmul %slice3A_145, %slice3A_158, %dot_general3A_159 {dimension_numbers = #tpu.dot_dimension_numbers<[1], [0], [0], [1], [0, 0, 1, 1], [], []>, transpose_lhs_hint = false} : vector<2048x256xbf16>, vector<256x64xbf16>, vector<2048x64xf32> -> vector<2048x64xf32>
    %add3A_161 = arith.addf %dot_general3A_151, %dot_general3A_154 : vector<2048x64xf32>
    %add3A_162 = arith.addf %add3A_161, %dot_general3A_157 : vector<2048x64xf32>
    %add3A_163 = arith.addf %add3A_162, %dot_general3A_160 : vector<2048x64xf32>
    %broadcast_in_dim3A_164 = vector.shape_cast %get3A_15 : vector<64xf32> to vector<1x64xf32>
    %add3A_165 = vector.broadcast %broadcast_in_dim3A_164 : vector<1x64xf32> to vector<2048x64xf32>
    %add3A_166 = arith.addf %add3A_163, %add3A_165 : vector<2048x64xf32>
    %max3A_167 = arith.constant 0.000000e+00 : f32
    %max3A_168 = vector.broadcast %max3A_167 : f32 to vector<2048x64xf32>
    %max3A_169 = arith.maximumf %add3A_166, %max3A_168 : vector<2048x64xf32>
    %swap3A = arith.constant 0 : index
    %swap3A_170 = arith.constant 0 : index
    %swap3A_171 = arith.constant 0 : index
    %swap3A_172 = vector.load %arg8[%swap3A, %swap3A_170, %swap3A_171] : memref<1x2048x64xf32, #tpu.memory_space<vmem>>, vector<1x2048x64xf32>
    %swap3A_173 = vector.shape_cast %swap3A_172 : vector<1x2048x64xf32> to vector<2048x64xf32>
    %swap3A_174 = vector.shape_cast %max3A_169 : vector<2048x64xf32> to vector<1x2048x64xf32>
    tpu.vector_store %arg8[%swap3A, %swap3A_170, %swap3A_171], %swap3A_174 {strides = array<i32>} : memref<1x2048x64xf32, #tpu.memory_space<vmem>>, vector<1x2048x64xf32>,
    %convert_element_type3A_175 = arith.truncf %max3A_169 : vector<2048x64xf32> to vector<2048x64xbf16>
    %swap3A_176 = arith.constant 0 : index
    %swap3A_177 = arith.constant 0 : index
    %swap3A_178 = arith.constant 0 : index
    %swap3A_179 = vector.load %arg9[%swap3A_176, %swap3A_177, %swap3A_178] : memref<1x2048x64xbf16, #tpu.memory_space<vmem>>, vector<1x2048x64xbf16>
    %swap3A_180 = vector.shape_cast %swap3A_179 : vector<1x2048x64xbf16> to vector<2048x64xbf16>
    %swap3A_181 = vector.shape_cast %convert_element_type3A_175 : vector<2048x64xbf16> to vector<1x2048x64xbf16>
    tpu.vector_store %arg9[%swap3A_176, %swap3A_177, %swap3A_178], %swap3A_181 {strides = array<i32>} : memref<1x2048x64xbf16, #tpu.memory_space<vmem>>, vector<1x2048x64xbf16>,
    %mul3A = arith.mulf %max3A_169, %max3A_169 : vector<2048x64xf32>
    %reduce_sum3A = arith.constant dense<0.000000e+00> : vector<2048xf32>
    %reduce_sum3A_182 = vector.multi_reduction <add>, %mul3A, %reduce_sum3A [1] : vector<2048x64xf32> to vector<2048xf32>
    %swap3A_183 = arith.constant 0 : index
    %swap3A_184 = arith.constant 0 : index
    %swap3A_185 = arith.constant 0 : index
    %swap3A_186 = vector.load %arg10[%swap3A_183, %swap3A_184, %swap3A_185] : memref<1x1x2048xf32, #tpu.memory_space<vmem>>, vector<1x1x2048xf32>
    %swap3A_187 = vector.shape_cast %swap3A_186 : vector<1x1x2048xf32> to vector<2048xf32>
    %swap3A_188 = vector.shape_cast %reduce_sum3A_182 : vector<2048xf32> to vector<1x1x2048xf32>
    tpu.vector_store %arg10[%swap3A_183, %swap3A_184, %swap3A_185], %swap3A_188 {strides = array<i32>} : memref<1x1x2048xf32, #tpu.memory_space<vmem>>, vector<1x1x2048xf32>,
    return
  }
  func.func @transform_0(%arg0: i32) -> (i32, i32, i32) {
    %c0_i32 = arith.constant 0 : i32
    %c0_i32_0 = arith.constant 0 : i32
    %c0_i32_1 = arith.constant 0 : i32
    return %arg0, %c0_i32, %c0_i32_0 : i32, i32, i32
  }
  func.func @transform_1(%arg0: i32) -> (i32, i32) {
    %c0_i32 = arith.constant 0 : i32
    %c0_i32_0 = arith.constant 0 : i32
    %c0_i32_1 = arith.constant 0 : i32
    return %c0_i32, %c0_i32_0 : i32, i32
  }
  func.func @transform_2(%arg0: i32) -> (i32, i32) {
    %c0_i32 = arith.constant 0 : i32
    %c0_i32_0 = arith.constant 0 : i32
    %c0_i32_1 = arith.constant 0 : i32
    return %c0_i32, %c0_i32_0 : i32, i32
  }
  func.func @transform_3(%arg0: i32) -> (i32, i32) {
    %c0_i32 = arith.constant 0 : i32
    %c0_i32_0 = arith.constant 0 : i32
    %c0_i32_1 = arith.constant 0 : i32
    return %c0_i32, %c0_i32_0 : i32, i32
  }
  func.func @transform_4(%arg0: i32) -> (i32, i32) {
    %c0_i32 = arith.constant 0 : i32
    %c0_i32_0 = arith.constant 0 : i32
    %c0_i32_1 = arith.constant 0 : i32
    return %c0_i32, %c0_i32_0 : i32, i32
  }
  func.func @transform_5(%arg0: i32) -> (i32, i32) {
    %c0_i32 = arith.constant 0 : i32
    %c0_i32_0 = arith.constant 0 : i32
    %c0_i32_1 = arith.constant 0 : i32
    return %c0_i32, %c0_i32_0 : i32, i32
  }
  func.func @transform_6(%arg0: i32) -> (i32, i32) {
    %c0_i32 = arith.constant 0 : i32
    %c0_i32_0 = arith.constant 0 : i32
    %c0_i32_1 = arith.constant 0 : i32
    return %c0_i32, %c0_i32_0 : i32, i32
  }
  func.func @transform_7(%arg0: i32) -> (i32, i32, i32) {
    %c0_i32 = arith.constant 0 : i32
    %c0_i32_0 = arith.constant 0 : i32
    %c0_i32_1 = arith.constant 0 : i32
    return %arg0, %c0_i32, %c0_i32_0 : i32, i32, i32
  }
  func.func @transform_8(%arg0: i32) -> (i32, i32, i32) {
    %c0_i32 = arith.constant 0 : i32
    %c0_i32_0 = arith.constant 0 : i32
    %c0_i32_1 = arith.constant 0 : i32
    return %arg0, %c0_i32, %c0_i32_0 : i32, i32, i32
  }
  func.func @transform_9(%arg0: i32) -> (i32, i32, i32) {
    %c0_i32 = arith.constant 0 : i32
    %c0_i32_0 = arith.constant 0 : i32
    %c0_i32_1 = arith.constant 0 : i32
    return %arg0, %c0_i32, %c0_i32_0 : i32, i32, i32
  }
}

module attributes {stable_mosaic.version = 14 : i64} {
  func.func @_dist_body(%arg0: i32, %arg1: memref<512x64xbf16, #tpu.memory_space<vmem>>, %arg2: memref<64x8192xf32, #tpu.memory_space<vmem>>, %arg3: memref<512x1xf32, #tpu.memory_space<vmem>>, %arg4: memref<1x1x512xi32, #tpu.memory_space<vmem>>, %arg5: memref<1x8192xf32, #tpu.memory_space<vmem>>) attributes {dimension_semantics = [#tpu.dimension_semantics<arbitrary>], iteration_bounds = array<i64: 16>, scalar_prefetch = 0 : i64, scratch_operands = 1 : i64, tpu.core_type = #tpu.core_type<tc>, window_params = [{transform_indices = @transform_0, window_bounds = array<i64: 512, 64>}, {pipeline_mode = #tpu.pipeline_mode<synchronous>, transform_indices = @transform_1, window_bounds = array<i64: 64, 8192>}, {transform_indices = @transform_2, window_bounds = array<i64: 512, 1>}, {transform_indices = @transform_3, window_bounds = array<i64: 1, 1, 512>}]} {
    %eq3A = arith.constant 0 : i32
    %eq3A_0 = arith.cmpi eq, %arg0, %eq3A : i32
    %convert_element_type3A = arith.extui %eq3A_0 : i1 to i32
    %cond3A = arith.constant 0 : i32
    %cond3A_1 = arith.cmpi ne, %convert_element_type3A, %cond3A : i32
    scf.if %cond3A_1 {
      %get3A_30 = arith.constant 0 : index
      %get3A_31 = arith.constant 0 : index
      %get3A_32 = vector.load %arg2[%get3A_30, %get3A_31] : memref<64x8192xf32, #tpu.memory_space<vmem>>, vector<64x8192xf32>
      %mul3A_33 = arith.mulf %get3A_32, %get3A_32 : vector<64x8192xf32>
      %reduce_sum3A = arith.constant dense<0.000000e+00> : vector<8192xf32>
      %reduce_sum3A_34 = vector.multi_reduction <add>, %mul3A_33, %reduce_sum3A [0] : vector<64x8192xf32> to vector<8192xf32>
      %broadcast_in_dim3A_35 = vector.shape_cast %reduce_sum3A_34 : vector<8192xf32> to vector<1x8192xf32>
      %swap3A_36 = arith.constant 0 : index
      %swap3A_37 = arith.constant 0 : index
      %swap3A_38 = vector.load %arg5[%swap3A_36, %swap3A_37] : memref<1x8192xf32, #tpu.memory_space<vmem>>, vector<1x8192xf32>
      tpu.vector_store %arg5[%swap3A_36, %swap3A_37], %broadcast_in_dim3A_35 {strides = array<i32>} : memref<1x8192xf32, #tpu.memory_space<vmem>>, vector<1x8192xf32>,
    } else {
    }
    %get3A = arith.constant 0 : index
    %get3A_2 = arith.constant 0 : index
    %get3A_3 = vector.load %arg1[%get3A, %get3A_2] : memref<512x64xbf16, #tpu.memory_space<vmem>>, vector<512x64xbf16>
    %convert_element_type3A_4 = arith.extf %get3A_3 : vector<512x64xbf16> to vector<512x64xf32>
    %get3A_5 = arith.constant 0 : index
    %get3A_6 = arith.constant 0 : index
    %get3A_7 = vector.load %arg2[%get3A_5, %get3A_6] : memref<64x8192xf32, #tpu.memory_space<vmem>>, vector<64x8192xf32>
    %dot_general3A = arith.constant dense<0.000000e+00> : vector<512x8192xf32>
    %dot_general3A_8 = tpu.matmul %convert_element_type3A_4, %get3A_7, %dot_general3A {dimension_numbers = #tpu.dot_dimension_numbers<[1], [0], [0], [1], [0, 0, 1, 1], [], []>, transpose_lhs_hint = false} : vector<512x64xf32>, vector<64x8192xf32>, vector<512x8192xf32> -> vector<512x8192xf32>
    %get3A_9 = arith.constant 0 : index
    %get3A_10 = arith.constant 0 : index
    %get3A_11 = vector.load %arg3[%get3A_9, %get3A_10] : memref<512x1xf32, #tpu.memory_space<vmem>>, vector<512x1xf32>
    %get3A_12 = arith.constant 0 : index
    %get3A_13 = arith.constant 0 : index
    %get3A_14 = vector.load %arg5[%get3A_12, %get3A_13] : memref<1x8192xf32, #tpu.memory_space<vmem>>, vector<1x8192xf32>
    %add3A = vector.broadcast %get3A_11 : vector<512x1xf32> to vector<512x8192xf32>
    %add3A_15 = vector.broadcast %get3A_14 : vector<1x8192xf32> to vector<512x8192xf32>
    %add3A_16 = arith.addf %add3A, %add3A_15 : vector<512x8192xf32>
    %mul3A = arith.constant 2.000000e+00 : f32
    %mul3A_17 = vector.broadcast %mul3A : f32 to vector<512x8192xf32>
    %mul3A_18 = arith.mulf %mul3A_17, %dot_general3A_8 : vector<512x8192xf32>
    %sub3A = arith.subf %add3A_16, %mul3A_18 : vector<512x8192xf32>
    %reduce_min3A = arith.constant dense<0x7F800000> : vector<512xf32>
    %reduce_min3A_19 = vector.multi_reduction <minimumf>, %sub3A, %reduce_min3A [1] : vector<512x8192xf32> to vector<512xf32>
    %iota3A = tpu.iota {dimensions = array<i32: 1>} : vector<512x8192xi32>
    %broadcast_in_dim3A = vector.shape_cast %reduce_min3A_19 : vector<512xf32> to vector<512x1xf32>
    %eq3A_20 = vector.broadcast %broadcast_in_dim3A : vector<512x1xf32> to vector<512x8192xf32>
    %eq3A_21 = arith.cmpf oeq, %sub3A, %eq3A_20 : vector<512x8192xf32>
    %jit3A = arith.constant 8192 : i32
    %broadcast_in_dim3A_22 = vector.broadcast %jit3A : i32 to vector<512x8192xi32>
    %select_n3A = arith.select %eq3A_21, %iota3A, %broadcast_in_dim3A_22 : vector<512x8192xi1>, vector<512x8192xi32>
    %reduce_min3A_23 = arith.constant dense<2147483647> : vector<512xi32>
    %reduce_min3A_24 = vector.multi_reduction <minsi>, %select_n3A, %reduce_min3A_23 [1] : vector<512x8192xi32> to vector<512xi32>
    %swap3A = arith.constant 0 : index
    %swap3A_25 = arith.constant 0 : index
    %swap3A_26 = arith.constant 0 : index
    %swap3A_27 = vector.load %arg4[%swap3A, %swap3A_25, %swap3A_26] : memref<1x1x512xi32, #tpu.memory_space<vmem>>, vector<1x1x512xi32>
    %swap3A_28 = vector.shape_cast %swap3A_27 : vector<1x1x512xi32> to vector<512xi32>
    %swap3A_29 = vector.shape_cast %reduce_min3A_24 : vector<512xi32> to vector<1x1x512xi32>
    tpu.vector_store %arg4[%swap3A, %swap3A_25, %swap3A_26], %swap3A_29 {strides = array<i32>} : memref<1x1x512xi32, #tpu.memory_space<vmem>>, vector<1x1x512xi32>,
    return
  }
  func.func @transform_0(%arg0: i32) -> (i32, i32) {
    %c0_i32 = arith.constant 0 : i32
    %c0_i32_0 = arith.constant 0 : i32
    return %arg0, %c0_i32 : i32, i32
  }
  func.func @transform_1(%arg0: i32) -> (i32, i32) {
    %c0_i32 = arith.constant 0 : i32
    %c0_i32_0 = arith.constant 0 : i32
    %c0_i32_1 = arith.constant 0 : i32
    return %c0_i32, %c0_i32_0 : i32, i32
  }
  func.func @transform_2(%arg0: i32) -> (i32, i32) {
    %c0_i32 = arith.constant 0 : i32
    %c0_i32_0 = arith.constant 0 : i32
    return %arg0, %c0_i32 : i32, i32
  }
  func.func @transform_3(%arg0: i32) -> (i32, i32, i32) {
    %c0_i32 = arith.constant 0 : i32
    %c0_i32_0 = arith.constant 0 : i32
    %c0_i32_1 = arith.constant 0 : i32
    return %arg0, %c0_i32, %c0_i32_0 : i32, i32, i32
  }
}

module attributes {stable_mosaic.version = 14 : i64} {
  func.func @_dec_body(%arg0: i32, %arg1: memref<1x2048x128xf32, #tpu.memory_space<vmem>>, %arg2: memref<1x2048x1xi32, #tpu.memory_space<vmem>>, %arg3: memref<1x2048x64xf32, #tpu.memory_space<vmem>>, %arg4: memref<128x256xbf16, #tpu.memory_space<vmem>>, %arg5: memref<128x256xbf16, #tpu.memory_space<vmem>>, %arg6: memref<1x256xf32, #tpu.memory_space<vmem>>, %arg7: memref<4x512x128xbf16, #tpu.memory_space<vmem>>, %arg8: memref<1x128xf32, #tpu.memory_space<vmem>>, %arg9: memref<768x8xbf16, #tpu.memory_space<vmem>>, %arg10: memref<1x1xf32, #tpu.memory_space<vmem>>, %arg11: memref<1x64x2048xf32, #tpu.memory_space<vmem>>, %arg12: memref<1x2048x8xf32, #tpu.memory_space<vmem>>, %arg13: memref<1x1xf32, #tpu.memory_space<vmem>>) attributes {dimension_semantics = [#tpu.dimension_semantics<arbitrary>], iteration_bounds = array<i64: 4>, scalar_prefetch = 0 : i64, scratch_operands = 0 : i64, tpu.core_type = #tpu.core_type<tc>, window_params = [{transform_indices = @transform_0, window_bounds = array<i64: 1, 2048, 128>}, {transform_indices = @transform_1, window_bounds = array<i64: 1, 2048, 1>}, {transform_indices = @transform_2, window_bounds = array<i64: 1, 2048, 64>}, {pipeline_mode = #tpu.pipeline_mode<synchronous>, transform_indices = @transform_3, window_bounds = array<i64: 128, 256>}, {pipeline_mode = #tpu.pipeline_mode<synchronous>, transform_indices = @transform_4, window_bounds = array<i64: 128, 256>}, {pipeline_mode = #tpu.pipeline_mode<synchronous>, transform_indices = @transform_5, window_bounds = array<i64: 1, 256>}, {pipeline_mode = #tpu.pipeline_mode<synchronous>, transform_indices = @transform_6, window_bounds = array<i64: 4, 512, 128>}, {pipeline_mode = #tpu.pipeline_mode<synchronous>, transform_indices = @transform_7, window_bounds = array<i64: 1, 128>}, {pipeline_mode = #tpu.pipeline_mode<synchronous>, transform_indices = @transform_8, window_bounds = array<i64: 768, 8>}, {pipeline_mode = #tpu.pipeline_mode<synchronous>, transform_indices = @transform_9, window_bounds = array<i64: 1, 1>}, {transform_indices = @transform_10, window_bounds = array<i64: 1, 64, 2048>}, {transform_indices = @transform_11, window_bounds = array<i64: 1, 2048, 8>}, {pipeline_mode = #tpu.pipeline_mode<synchronous>, transform_indices = @transform_12, window_bounds = array<i64: 1, 1>}]} {
    %get3A = arith.constant 0 : index
    %get3A_0 = arith.constant 0 : index
    %get3A_1 = arith.constant 0 : index
    %get3A_2 = vector.load %arg3[%get3A, %get3A_0, %get3A_1] : memref<1x2048x64xf32, #tpu.memory_space<vmem>>, vector<1x2048x64xf32>
    %get3A_3 = vector.shape_cast %get3A_2 : vector<1x2048x64xf32> to vector<2048x64xf32>
    %get3A_4 = arith.constant 0 : index
    %get3A_5 = arith.constant 0 : index
    %get3A_6 = arith.constant 0 : index
    %get3A_7 = vector.load %arg1[%get3A_4, %get3A_5, %get3A_6] : memref<1x2048x128xf32, #tpu.memory_space<vmem>>, vector<1x2048x128xf32>
    %get3A_8 = vector.shape_cast %get3A_7 : vector<1x2048x128xf32> to vector<2048x128xf32>
    %get3A_9 = arith.constant 0 : index
    %get3A_10 = arith.constant 0 : index
    %get3A_11 = arith.constant 0 : index
    %get3A_12 = vector.load %arg2[%get3A_9, %get3A_10, %get3A_11] : memref<1x2048x1xi32, #tpu.memory_space<vmem>>, vector<1x2048x1xi32>
    %get3A_13 = vector.shape_cast %get3A_12 : vector<1x2048x1xi32> to vector<2048x1xi32>
    %and3A = arith.constant 1 : i32
    %and3A_14 = vector.broadcast %and3A : i32 to vector<2048x1xi32>
    %and3A_15 = arith.andi %get3A_13, %and3A_14 : vector<2048x1xi32>
    %eq3A = arith.constant 1 : i32
    %eq3A_16 = vector.broadcast %eq3A : i32 to vector<2048x1xi32>
    %eq3A_17 = arith.cmpi eq, %and3A_15, %eq3A_16 : vector<2048x1xi32>
    %slice3A = vector.extract_strided_slice %get3A_8 {offsets = [0, 64], sizes = [2048, 64], strides = [1, 1]} : vector<2048x128xf32> to vector<2048x64xf32>
    %slice3A_18 = vector.extract_strided_slice %get3A_8 {offsets = [0, 0], sizes = [2048, 64], strides = [1, 1]} : vector<2048x128xf32> to vector<2048x64xf32>
    %broadcast_in_dim3A = vector.shape_cast %eq3A_17 : vector<2048x1xi1> to vector<2048x1xi1>
    %broadcast_in_dim3A_19 = vector.broadcast %broadcast_in_dim3A : vector<2048x1xi1> to vector<2048x64xi1>
    %select_n3A = arith.select %broadcast_in_dim3A_19, %slice3A, %slice3A_18 : vector<2048x64xi1>, vector<2048x64xf32>
    %sub3A = arith.subf %select_n3A, %get3A_3 : vector<2048x64xf32>
    %add3A = arith.addf %get3A_3, %sub3A : vector<2048x64xf32>
    %transpose3A = tpu.transpose %add3A, [1, 0] : vector<2048x64xf32> -> vector<64x2048xf32>
    %swap3A = arith.constant 0 : index
    %swap3A_20 = arith.constant 0 : index
    %swap3A_21 = arith.constant 0 : index
    %swap3A_22 = vector.load %arg11[%swap3A, %swap3A_20, %swap3A_21] : memref<1x64x2048xf32, #tpu.memory_space<vmem>>, vector<1x64x2048xf32>
    %swap3A_23 = vector.shape_cast %swap3A_22 : vector<1x64x2048xf32> to vector<64x2048xf32>
    %swap3A_24 = vector.shape_cast %transpose3A : vector<64x2048xf32> to vector<1x64x2048xf32>
    tpu.vector_store %arg11[%swap3A, %swap3A_20, %swap3A_21], %swap3A_24 {strides = array<i32>} : memref<1x64x2048xf32, #tpu.memory_space<vmem>>, vector<1x64x2048xf32>,
    %mul3A = arith.mulf %sub3A, %sub3A : vector<2048x64xf32>
    %reduce_sum3A = vector.shape_cast %mul3A : vector<2048x64xf32> to vector<1x2048x64xf32>
    %reduce_sum3A_25 = arith.constant dense<0.000000e+00> : vector<1xf32>
    %reduce_sum3A_26 = vector.multi_reduction <add>, %reduce_sum3A, %reduce_sum3A_25 [1, 2] : vector<1x2048x64xf32> to vector<1xf32>
    %reduce_sum3A_27 = vector.shape_cast %reduce_sum3A_26 : vector<1xf32> to vector<1x1x1xf32>
    %reduce_sum3A_28 = vector.extract %reduce_sum3A_27[0, 0, 0] : f32 from vector<1x1x1xf32>
    %broadcast_in_dim3A_29 = vector.broadcast %reduce_sum3A_28 : f32 to vector<1x1xf32>
    %eq3A_30 = arith.constant 0 : i32
    %eq3A_31 = arith.cmpi eq, %arg0, %eq3A_30 : i32
    %convert_element_type3A = arith.extui %eq3A_31 : i1 to i32
    %cond3A = arith.constant 0 : i32
    %cond3A_32 = arith.cmpi ne, %convert_element_type3A, %cond3A : i32
    scf.if %cond3A_32 {
      %broadcast_in_dim3A_185 = arith.constant 0.000000e+00 : f32
      %broadcast_in_dim3A_186 = vector.broadcast %broadcast_in_dim3A_185 : f32 to vector<1x1xf32>
      %swap3A_187 = arith.constant 0 : index
      %swap3A_188 = arith.constant 0 : index
      %swap3A_189 = vector.load %arg13[%swap3A_187, %swap3A_188] : memref<1x1xf32, #tpu.memory_space<vmem>>, vector<1x1xf32>
      tpu.vector_store %arg13[%swap3A_187, %swap3A_188], %broadcast_in_dim3A_186 {strides = array<i32>} : memref<1x1xf32, #tpu.memory_space<vmem>>, vector<1x1xf32>,
    } else {
    }
    %get3A_33 = arith.constant 0 : index
    %get3A_34 = arith.constant 0 : index
    %get3A_35 = vector.load %arg13[%get3A_33, %get3A_34] : memref<1x1xf32, #tpu.memory_space<vmem>>, vector<1x1xf32>
    %add3A_36 = arith.addf %get3A_35, %broadcast_in_dim3A_29 : vector<1x1xf32>
    %swap3A_37 = arith.constant 0 : index
    %swap3A_38 = arith.constant 0 : index
    %swap3A_39 = vector.load %arg13[%swap3A_37, %swap3A_38] : memref<1x1xf32, #tpu.memory_space<vmem>>, vector<1x1xf32>
    tpu.vector_store %arg13[%swap3A_37, %swap3A_38], %add3A_36 {strides = array<i32>} : memref<1x1xf32, #tpu.memory_space<vmem>>, vector<1x1xf32>,
    %eq3A_40 = arith.constant 3 : i32
    %eq3A_41 = arith.cmpi eq, %arg0, %eq3A_40 : i32
    %convert_element_type3A_42 = arith.extui %eq3A_41 : i1 to i32
    %cond3A_43 = arith.constant 0 : i32
    %cond3A_44 = arith.cmpi ne, %convert_element_type3A_42, %cond3A_43 : i32
    scf.if %cond3A_44 {
      %get3A_185 = arith.constant 0 : index
      %get3A_186 = arith.constant 0 : index
      %get3A_187 = vector.load %arg13[%get3A_185, %get3A_186] : memref<1x1xf32, #tpu.memory_space<vmem>>, vector<1x1xf32>
      %div3A = arith.constant 5.242880e+05 : f32
      %div3A_188 = vector.broadcast %div3A : f32 to vector<1x1xf32>
      %div3A_189 = arith.divf %get3A_187, %div3A_188 : vector<1x1xf32>
      %mul3A_190 = arith.constant 2.500000e-01 : f32
      %mul3A_191 = vector.broadcast %mul3A_190 : f32 to vector<1x1xf32>
      %mul3A_192 = arith.mulf %mul3A_191, %div3A_189 : vector<1x1xf32>
      %add3A_193 = arith.addf %div3A_189, %mul3A_192 : vector<1x1xf32>
      %swap3A_194 = arith.constant 0 : index
      %swap3A_195 = arith.constant 0 : index
      %swap3A_196 = vector.load %arg13[%swap3A_194, %swap3A_195] : memref<1x1xf32, #tpu.memory_space<vmem>>, vector<1x1xf32>
      tpu.vector_store %arg13[%swap3A_194, %swap3A_195], %add3A_193 {strides = array<i32>} : memref<1x1xf32, #tpu.memory_space<vmem>>, vector<1x1xf32>,
    } else {
    }
    %get3A_45 = arith.constant 0 : index
    %get3A_46 = arith.constant 0 : index
    %get3A_47 = vector.load %arg6[%get3A_45, %get3A_46] : memref<1x256xf32, #tpu.memory_space<vmem>>, vector<1x256xf32>
    %get3A_48 = vector.shape_cast %get3A_47 : vector<1x256xf32> to vector<256xf32>
    %get3A_49 = arith.constant 0 : index
    %get3A_50 = arith.constant 0 : index
    %get3A_51 = vector.load %arg8[%get3A_49, %get3A_50] : memref<1x128xf32, #tpu.memory_space<vmem>>, vector<1x128xf32>
    %get3A_52 = vector.shape_cast %get3A_51 : vector<1x128xf32> to vector<128xf32>
    %convert_element_type3A_53 = arith.truncf %add3A : vector<2048x64xf32> to vector<2048x64xbf16>
    %broadcast_in_dim3A_54 = arith.constant 0.000000e+00 : bf16
    %broadcast_in_dim3A_55 = vector.broadcast %broadcast_in_dim3A_54 : bf16 to vector<1x64xbf16>
    %concatenate3A = tpu.concatenate %broadcast_in_dim3A_55, %convert_element_type3A_53, %broadcast_in_dim3A_55 in 0 : vector<1x64xbf16>, vector<2048x64xbf16>, vector<1x64xbf16> -> vector<2050x64xbf16>
    %slice3A_56 = vector.extract_strided_slice %concatenate3A {offsets = [1, 0], sizes = [2048, 64], strides = [1, 1]} : vector<2050x64xbf16> to vector<2048x64xbf16>
    %slice3A_57 = vector.extract_strided_slice %concatenate3A {offsets = [0, 0], sizes = [2048, 64], strides = [1, 1]} : vector<2050x64xbf16> to vector<2048x64xbf16>
    %concatenate3A_58 = tpu.concatenate %slice3A_56, %slice3A_57 in 1 : vector<2048x64xbf16>, vector<2048x64xbf16> -> vector<2048x128xbf16>
    %get3A_59 = arith.constant 0 : index
    %get3A_60 = arith.constant 0 : index
    %get3A_61 = vector.load %arg4[%get3A_59, %get3A_60] : memref<128x256xbf16, #tpu.memory_space<vmem>>, vector<128x256xbf16>
    %dot_general3A = arith.constant dense<0.000000e+00> : vector<2048x256xf32>
    %dot_general3A_62 = tpu.matmul %concatenate3A_58, %get3A_61, %dot_general3A {dimension_numbers = #tpu.dot_dimension_numbers<[1], [0], [0], [1], [0, 0, 1, 1], [], []>, transpose_lhs_hint = false} : vector<2048x128xbf16>, vector<128x256xbf16>, vector<2048x256xf32> -> vector<2048x256xf32>
    %broadcast_in_dim3A_63 = vector.shape_cast %get3A_48 : vector<256xf32> to vector<1x256xf32>
    %add3A_64 = vector.broadcast %broadcast_in_dim3A_63 : vector<1x256xf32> to vector<2048x256xf32>
    %add3A_65 = arith.addf %dot_general3A_62, %add3A_64 : vector<2048x256xf32>
    %max3A = arith.constant 0.000000e+00 : f32
    %max3A_66 = vector.broadcast %max3A : f32 to vector<2048x256xf32>
    %max3A_67 = arith.maximumf %add3A_65, %max3A_66 : vector<2048x256xf32>
    %slice3A_68 = vector.extract_strided_slice %concatenate3A {offsets = [1, 0], sizes = [2048, 64], strides = [1, 1]} : vector<2050x64xbf16> to vector<2048x64xbf16>
    %slice3A_69 = vector.extract_strided_slice %concatenate3A {offsets = [2, 0], sizes = [2048, 64], strides = [1, 1]} : vector<2050x64xbf16> to vector<2048x64xbf16>
    %concatenate3A_70 = tpu.concatenate %slice3A_68, %slice3A_69 in 1 : vector<2048x64xbf16>, vector<2048x64xbf16> -> vector<2048x128xbf16>
    %get3A_71 = arith.constant 0 : index
    %get3A_72 = arith.constant 0 : index
    %get3A_73 = vector.load %arg5[%get3A_71, %get3A_72] : memref<128x256xbf16, #tpu.memory_space<vmem>>, vector<128x256xbf16>
    %dot_general3A_74 = arith.constant dense<0.000000e+00> : vector<2048x256xf32>
    %dot_general3A_75 = tpu.matmul %concatenate3A_70, %get3A_73, %dot_general3A_74 {dimension_numbers = #tpu.dot_dimension_numbers<[1], [0], [0], [1], [0, 0, 1, 1], [], []>, transpose_lhs_hint = false} : vector<2048x128xbf16>, vector<128x256xbf16>, vector<2048x256xf32> -> vector<2048x256xf32>
    %broadcast_in_dim3A_76 = vector.shape_cast %get3A_48 : vector<256xf32> to vector<1x256xf32>
    %add3A_77 = vector.broadcast %broadcast_in_dim3A_76 : vector<1x256xf32> to vector<2048x256xf32>
    %add3A_78 = arith.addf %dot_general3A_75, %add3A_77 : vector<2048x256xf32>
    %max3A_79 = arith.constant 0.000000e+00 : f32
    %max3A_80 = vector.broadcast %max3A_79 : f32 to vector<2048x256xf32>
    %max3A_81 = arith.maximumf %add3A_78, %max3A_80 : vector<2048x256xf32>
    %broadcast_in_dim3A_82 = arith.constant 0.000000e+00 : bf16
    %broadcast_in_dim3A_83 = vector.broadcast %broadcast_in_dim3A_82 : bf16 to vector<1x256xbf16>
    %convert_element_type3A_84 = arith.truncf %max3A_67 : vector<2048x256xf32> to vector<2048x256xbf16>
    %concatenate3A_85 = tpu.concatenate %broadcast_in_dim3A_83, %convert_element_type3A_84, %broadcast_in_dim3A_83 in 0 : vector<1x256xbf16>, vector<2048x256xbf16>, vector<1x256xbf16> -> vector<2050x256xbf16>
    %convert_element_type3A_86 = arith.truncf %max3A_81 : vector<2048x256xf32> to vector<2048x256xbf16>
    %concatenate3A_87 = tpu.concatenate %broadcast_in_dim3A_83, %convert_element_type3A_86, %broadcast_in_dim3A_83 in 0 : vector<1x256xbf16>, vector<2048x256xbf16>, vector<1x256xbf16> -> vector<2050x256xbf16>
    %slice3A_88 = vector.extract_strided_slice %concatenate3A_85 {offsets = [1, 0], sizes = [2048, 256], strides = [1, 1]} : vector<2050x256xbf16> to vector<2048x256xbf16>
    %slice3A_89 = vector.extract_strided_slice %concatenate3A_87 {offsets = [0, 0], sizes = [2048, 256], strides = [1, 1]} : vector<2050x256xbf16> to vector<2048x256xbf16>
    %concatenate3A_90 = tpu.concatenate %slice3A_88, %slice3A_89 in 1 : vector<2048x256xbf16>, vector<2048x256xbf16> -> vector<2048x512xbf16>
    %get3A_91 = arith.constant 0 : index
    %get3A_92 = arith.constant 0 : index
    %get3A_93 = arith.constant 0 : index
    %get3A_94 = vector.load %arg7[%get3A_91, %get3A_92, %get3A_93] : memref<4x512x128xbf16, #tpu.memory_space<vmem>>, vector<1x512x128xbf16>
    %get3A_95 = vector.shape_cast %get3A_94 : vector<1x512x128xbf16> to vector<512x128xbf16>
    %dot_general3A_96 = arith.constant dense<0.000000e+00> : vector<2048x128xf32>
    %dot_general3A_97 = tpu.matmul %concatenate3A_90, %get3A_95, %dot_general3A_96 {dimension_numbers = #tpu.dot_dimension_numbers<[1], [0], [0], [1], [0, 0, 1, 1], [], []>, transpose_lhs_hint = false} : vector<2048x512xbf16>, vector<512x128xbf16>, vector<2048x128xf32> -> vector<2048x128xf32>
    %broadcast_in_dim3A_98 = vector.shape_cast %get3A_52 : vector<128xf32> to vector<1x128xf32>
    %add3A_99 = vector.broadcast %broadcast_in_dim3A_98 : vector<1x128xf32> to vector<2048x128xf32>
    %add3A_100 = arith.addf %dot_general3A_97, %add3A_99 : vector<2048x128xf32>
    %max3A_101 = arith.constant 0.000000e+00 : f32
    %max3A_102 = vector.broadcast %max3A_101 : f32 to vector<2048x128xf32>
    %max3A_103 = arith.maximumf %add3A_100, %max3A_102 : vector<2048x128xf32>
    %convert_element_type3A_104 = arith.truncf %max3A_103 : vector<2048x128xf32> to vector<2048x128xbf16>
    %slice3A_105 = vector.extract_strided_slice %concatenate3A_87 {offsets = [1, 0], sizes = [2048, 256], strides = [1, 1]} : vector<2050x256xbf16> to vector<2048x256xbf16>
    %slice3A_106 = vector.extract_strided_slice %concatenate3A_85 {offsets = [1, 0], sizes = [2048, 256], strides = [1, 1]} : vector<2050x256xbf16> to vector<2048x256xbf16>
    %concatenate3A_107 = tpu.concatenate %slice3A_105, %slice3A_106 in 1 : vector<2048x256xbf16>, vector<2048x256xbf16> -> vector<2048x512xbf16>
    %get3A_108 = arith.constant 1 : index
    %get3A_109 = arith.constant 0 : index
    %get3A_110 = arith.constant 0 : index
    %get3A_111 = vector.load %arg7[%get3A_108, %get3A_109, %get3A_110] : memref<4x512x128xbf16, #tpu.memory_space<vmem>>, vector<1x512x128xbf16>
    %get3A_112 = vector.shape_cast %get3A_111 : vector<1x512x128xbf16> to vector<512x128xbf16>
    %dot_general3A_113 = arith.constant dense<0.000000e+00> : vector<2048x128xf32>
    %dot_general3A_114 = tpu.matmul %concatenate3A_107, %get3A_112, %dot_general3A_113 {dimension_numbers = #tpu.dot_dimension_numbers<[1], [0], [0], [1], [0, 0, 1, 1], [], []>, transpose_lhs_hint = false} : vector<2048x512xbf16>, vector<512x128xbf16>, vector<2048x128xf32> -> vector<2048x128xf32>
    %broadcast_in_dim3A_115 = vector.shape_cast %get3A_52 : vector<128xf32> to vector<1x128xf32>
    %add3A_116 = vector.broadcast %broadcast_in_dim3A_115 : vector<1x128xf32> to vector<2048x128xf32>
    %add3A_117 = arith.addf %dot_general3A_114, %add3A_116 : vector<2048x128xf32>
    %max3A_118 = arith.constant 0.000000e+00 : f32
    %max3A_119 = vector.broadcast %max3A_118 : f32 to vector<2048x128xf32>
    %max3A_120 = arith.maximumf %add3A_117, %max3A_119 : vector<2048x128xf32>
    %convert_element_type3A_121 = arith.truncf %max3A_120 : vector<2048x128xf32> to vector<2048x128xbf16>
    %slice3A_122 = vector.extract_strided_slice %concatenate3A_87 {offsets = [1, 0], sizes = [2048, 256], strides = [1, 1]} : vector<2050x256xbf16> to vector<2048x256xbf16>
    %slice3A_123 = vector.extract_strided_slice %concatenate3A_85 {offsets = [1, 0], sizes = [2048, 256], strides = [1, 1]} : vector<2050x256xbf16> to vector<2048x256xbf16>
    %concatenate3A_124 = tpu.concatenate %slice3A_122, %slice3A_123 in 1 : vector<2048x256xbf16>, vector<2048x256xbf16> -> vector<2048x512xbf16>
    %get3A_125 = arith.constant 2 : index
    %get3A_126 = arith.constant 0 : index
    %get3A_127 = arith.constant 0 : index
    %get3A_128 = vector.load %arg7[%get3A_125, %get3A_126, %get3A_127] : memref<4x512x128xbf16, #tpu.memory_space<vmem>>, vector<1x512x128xbf16>
    %get3A_129 = vector.shape_cast %get3A_128 : vector<1x512x128xbf16> to vector<512x128xbf16>
    %dot_general3A_130 = arith.constant dense<0.000000e+00> : vector<2048x128xf32>
    %dot_general3A_131 = tpu.matmul %concatenate3A_124, %get3A_129, %dot_general3A_130 {dimension_numbers = #tpu.dot_dimension_numbers<[1], [0], [0], [1], [0, 0, 1, 1], [], []>, transpose_lhs_hint = false} : vector<2048x512xbf16>, vector<512x128xbf16>, vector<2048x128xf32> -> vector<2048x128xf32>
    %broadcast_in_dim3A_132 = vector.shape_cast %get3A_52 : vector<128xf32> to vector<1x128xf32>
    %add3A_133 = vector.broadcast %broadcast_in_dim3A_132 : vector<1x128xf32> to vector<2048x128xf32>
    %add3A_134 = arith.addf %dot_general3A_131, %add3A_133 : vector<2048x128xf32>
    %max3A_135 = arith.constant 0.000000e+00 : f32
    %max3A_136 = vector.broadcast %max3A_135 : f32 to vector<2048x128xf32>
    %max3A_137 = arith.maximumf %add3A_134, %max3A_136 : vector<2048x128xf32>
    %convert_element_type3A_138 = arith.truncf %max3A_137 : vector<2048x128xf32> to vector<2048x128xbf16>
    %slice3A_139 = vector.extract_strided_slice %concatenate3A_85 {offsets = [2, 0], sizes = [2048, 256], strides = [1, 1]} : vector<2050x256xbf16> to vector<2048x256xbf16>
    %slice3A_140 = vector.extract_strided_slice %concatenate3A_87 {offsets = [1, 0], sizes = [2048, 256], strides = [1, 1]} : vector<2050x256xbf16> to vector<2048x256xbf16>
    %concatenate3A_141 = tpu.concatenate %slice3A_139, %slice3A_140 in 1 : vector<2048x256xbf16>, vector<2048x256xbf16> -> vector<2048x512xbf16>
    %get3A_142 = arith.constant 3 : index
    %get3A_143 = arith.constant 0 : index
    %get3A_144 = arith.constant 0 : index
    %get3A_145 = vector.load %arg7[%get3A_142, %get3A_143, %get3A_144] : memref<4x512x128xbf16, #tpu.memory_space<vmem>>, vector<1x512x128xbf16>
    %get3A_146 = vector.shape_cast %get3A_145 : vector<1x512x128xbf16> to vector<512x128xbf16>
    %dot_general3A_147 = arith.constant dense<0.000000e+00> : vector<2048x128xf32>
    %dot_general3A_148 = tpu.matmul %concatenate3A_141, %get3A_146, %dot_general3A_147 {dimension_numbers = #tpu.dot_dimension_numbers<[1], [0], [0], [1], [0, 0, 1, 1], [], []>, transpose_lhs_hint = false} : vector<2048x512xbf16>, vector<512x128xbf16>, vector<2048x128xf32> -> vector<2048x128xf32>
    %broadcast_in_dim3A_149 = vector.shape_cast %get3A_52 : vector<128xf32> to vector<1x128xf32>
    %add3A_150 = vector.broadcast %broadcast_in_dim3A_149 : vector<1x128xf32> to vector<2048x128xf32>
    %add3A_151 = arith.addf %dot_general3A_148, %add3A_150 : vector<2048x128xf32>
    %max3A_152 = arith.constant 0.000000e+00 : f32
    %max3A_153 = vector.broadcast %max3A_152 : f32 to vector<2048x128xf32>
    %max3A_154 = arith.maximumf %add3A_151, %max3A_153 : vector<2048x128xf32>
    %convert_element_type3A_155 = arith.truncf %max3A_154 : vector<2048x128xf32> to vector<2048x128xbf16>
    %broadcast_in_dim3A_156 = arith.constant 0.000000e+00 : bf16
    %broadcast_in_dim3A_157 = vector.broadcast %broadcast_in_dim3A_156 : bf16 to vector<1x128xbf16>
    %concatenate3A_158 = tpu.concatenate %broadcast_in_dim3A_157, %convert_element_type3A_104, %broadcast_in_dim3A_157 in 0 : vector<1x128xbf16>, vector<2048x128xbf16>, vector<1x128xbf16> -> vector<2050x128xbf16>
    %concatenate3A_159 = tpu.concatenate %broadcast_in_dim3A_157, %convert_element_type3A_121, %broadcast_in_dim3A_157 in 0 : vector<1x128xbf16>, vector<2048x128xbf16>, vector<1x128xbf16> -> vector<2050x128xbf16>
    %concatenate3A_160 = tpu.concatenate %broadcast_in_dim3A_157, %convert_element_type3A_138, %broadcast_in_dim3A_157 in 0 : vector<1x128xbf16>, vector<2048x128xbf16>, vector<1x128xbf16> -> vector<2050x128xbf16>
    %concatenate3A_161 = tpu.concatenate %broadcast_in_dim3A_157, %convert_element_type3A_155, %broadcast_in_dim3A_157 in 0 : vector<1x128xbf16>, vector<2048x128xbf16>, vector<1x128xbf16> -> vector<2050x128xbf16>
    %slice3A_162 = vector.extract_strided_slice %concatenate3A_158 {offsets = [1, 0], sizes = [2048, 128], strides = [1, 1]} : vector<2050x128xbf16> to vector<2048x128xbf16>
    %slice3A_163 = vector.extract_strided_slice %concatenate3A_159 {offsets = [1, 0], sizes = [2048, 128], strides = [1, 1]} : vector<2050x128xbf16> to vector<2048x128xbf16>
    %slice3A_164 = vector.extract_strided_slice %concatenate3A_160 {offsets = [1, 0], sizes = [2048, 128], strides = [1, 1]} : vector<2050x128xbf16> to vector<2048x128xbf16>
    %slice3A_165 = vector.extract_strided_slice %concatenate3A_161 {offsets = [1, 0], sizes = [2048, 128], strides = [1, 1]} : vector<2050x128xbf16> to vector<2048x128xbf16>
    %slice3A_166 = vector.extract_strided_slice %concatenate3A_161 {offsets = [0, 0], sizes = [2048, 128], strides = [1, 1]} : vector<2050x128xbf16> to vector<2048x128xbf16>
    %slice3A_167 = vector.extract_strided_slice %concatenate3A_158 {offsets = [2, 0], sizes = [2048, 128], strides = [1, 1]} : vector<2050x128xbf16> to vector<2048x128xbf16>
    %concatenate3A_168 = tpu.concatenate %slice3A_162, %slice3A_163, %slice3A_164, %slice3A_165, %slice3A_166, %slice3A_167 in 1 : vector<2048x128xbf16>, vector<2048x128xbf16>, vector<2048x128xbf16>, vector<2048x128xbf16>, vector<2048x128xbf16>, vector<2048x128xbf16> -> vector<2048x768xbf16>
    %get3A_169 = arith.constant 0 : index
    %get3A_170 = arith.constant 0 : index
    %get3A_171 = vector.load %arg9[%get3A_169, %get3A_170] : memref<768x8xbf16, #tpu.memory_space<vmem>>, vector<768x8xbf16>
    %dot_general3A_172 = arith.constant dense<0.000000e+00> : vector<2048x8xf32>
    %dot_general3A_173 = tpu.matmul %concatenate3A_168, %get3A_171, %dot_general3A_172 {dimension_numbers = #tpu.dot_dimension_numbers<[1], [0], [0], [1], [0, 0, 1, 1], [], []>, transpose_lhs_hint = false} : vector<2048x768xbf16>, vector<768x8xbf16>, vector<2048x8xf32> -> vector<2048x8xf32>
    %get3A_174 = arith.constant 0 : index
    %get3A_175 = arith.constant 0 : index
    %get3A_176 = vector.load %arg10[%get3A_174, %get3A_175] : memref<1x1xf32, #tpu.memory_space<vmem>>, vector<1x1xf32>
    %add3A_177 = vector.broadcast %get3A_176 : vector<1x1xf32> to vector<2048x8xf32>
    %add3A_178 = arith.addf %dot_general3A_173, %add3A_177 : vector<2048x8xf32>
    %tanh3A = math.tanh %add3A_178 : vector<2048x8xf32>
    %swap3A_179 = arith.constant 0 : index
    %swap3A_180 = arith.constant 0 : index
    %swap3A_181 = arith.constant 0 : index
    %swap3A_182 = vector.load %arg12[%swap3A_179, %swap3A_180, %swap3A_181] : memref<1x2048x8xf32, #tpu.memory_space<vmem>>, vector<1x2048x8xf32>
    %swap3A_183 = vector.shape_cast %swap3A_182 : vector<1x2048x8xf32> to vector<2048x8xf32>
    %swap3A_184 = vector.shape_cast %tanh3A : vector<2048x8xf32> to vector<1x2048x8xf32>
    tpu.vector_store %arg12[%swap3A_179, %swap3A_180, %swap3A_181], %swap3A_184 {strides = array<i32>} : memref<1x2048x8xf32, #tpu.memory_space<vmem>>, vector<1x2048x8xf32>,
    return
  }
  func.func @transform_0(%arg0: i32) -> (i32, i32, i32) {
    %c0_i32 = arith.constant 0 : i32
    %c0_i32_0 = arith.constant 0 : i32
    %c0_i32_1 = arith.constant 0 : i32
    return %arg0, %c0_i32, %c0_i32_0 : i32, i32, i32
  }
  func.func @transform_1(%arg0: i32) -> (i32, i32, i32) {
    %c0_i32 = arith.constant 0 : i32
    %c0_i32_0 = arith.constant 0 : i32
    %c0_i32_1 = arith.constant 0 : i32
    return %arg0, %c0_i32, %c0_i32_0 : i32, i32, i32
  }
  func.func @transform_2(%arg0: i32) -> (i32, i32, i32) {
    %c0_i32 = arith.constant 0 : i32
    %c0_i32_0 = arith.constant 0 : i32
    %c0_i32_1 = arith.constant 0 : i32
    return %arg0, %c0_i32, %c0_i32_0 : i32, i32, i32
  }
  func.func @transform_3(%arg0: i32) -> (i32, i32) {
    %c0_i32 = arith.constant 0 : i32
    %c0_i32_0 = arith.constant 0 : i32
    %c0_i32_1 = arith.constant 0 : i32
    return %c0_i32, %c0_i32_0 : i32, i32
  }
  func.func @transform_4(%arg0: i32) -> (i32, i32) {
    %c0_i32 = arith.constant 0 : i32
    %c0_i32_0 = arith.constant 0 : i32
    %c0_i32_1 = arith.constant 0 : i32
    return %c0_i32, %c0_i32_0 : i32, i32
  }
  func.func @transform_5(%arg0: i32) -> (i32, i32) {
    %c0_i32 = arith.constant 0 : i32
    %c0_i32_0 = arith.constant 0 : i32
    %c0_i32_1 = arith.constant 0 : i32
    return %c0_i32, %c0_i32_0 : i32, i32
  }
  func.func @transform_6(%arg0: i32) -> (i32, i32, i32) {
    %c0_i32 = arith.constant 0 : i32
    %c0_i32_0 = arith.constant 0 : i32
    %c0_i32_1 = arith.constant 0 : i32
    %c0_i32_2 = arith.constant 0 : i32
    return %c0_i32, %c0_i32_0, %c0_i32_1 : i32, i32, i32
  }
  func.func @transform_7(%arg0: i32) -> (i32, i32) {
    %c0_i32 = arith.constant 0 : i32
    %c0_i32_0 = arith.constant 0 : i32
    %c0_i32_1 = arith.constant 0 : i32
    return %c0_i32, %c0_i32_0 : i32, i32
  }
  func.func @transform_8(%arg0: i32) -> (i32, i32) {
    %c0_i32 = arith.constant 0 : i32
    %c0_i32_0 = arith.constant 0 : i32
    %c0_i32_1 = arith.constant 0 : i32
    return %c0_i32, %c0_i32_0 : i32, i32
  }
  func.func @transform_9(%arg0: i32) -> (i32, i32) {
    %c0_i32 = arith.constant 0 : i32
    %c0_i32_0 = arith.constant 0 : i32
    %c0_i32_1 = arith.constant 0 : i32
    return %c0_i32, %c0_i32_0 : i32, i32
  }
  func.func @transform_10(%arg0: i32) -> (i32, i32, i32) {
    %c0_i32 = arith.constant 0 : i32
    %c0_i32_0 = arith.constant 0 : i32
    %c0_i32_1 = arith.constant 0 : i32
    return %arg0, %c0_i32, %c0_i32_0 : i32, i32, i32
  }
  func.func @transform_11(%arg0: i32) -> (i32, i32, i32) {
    %c0_i32 = arith.constant 0 : i32
    %c0_i32_0 = arith.constant 0 : i32
    %c0_i32_1 = arith.constant 0 : i32
    return %arg0, %c0_i32, %c0_i32_0 : i32, i32, i32
  }
  func.func @transform_12(%arg0: i32) -> (i32, i32) {
    %c0_i32 = arith.constant 0 : i32
    %c0_i32_0 = arith.constant 0 : i32
    %c0_i32_1 = arith.constant 0 : i32
    return %c0_i32, %c0_i32_0 : i32, i32
  }
}

</mosaic_0001>

<sc_bundles>
// kernel: kernel.6.cloned.1.call-start
scs
__scs_entry_jumppad:
0x0: {  	(pc) =	sbr.rel $0x88, $3  }
0x1: {  	(tag) =	ssettag $0x0;
	lr =	simm.s32 $0x1  }
0x2: {  	[smem:$0x3F93] =	sst lr;
	_ =	strace $0xD0000000  }
0x3: {  	_ = 	snop  }
0x4: {  	_ = 	snop  }
0x5: {  	_ = 	snop  }
0x6: {  	_ = 	snop  }
0x7: {  	_ = 	snop  }
__scs_overlays_trampoline_lowered:
0x8: {  	[smem:$0x3FA2] =	sst s0  }
0x9: {  	[smem:$0x3FA3] =	sst s1  }
0xa: {  	[smem:$0x3FA4] =	sst s2  }
0xb: {  	[smem:$0x3FA5] =	sst s3  }
0xc: {  	[smem:$0x3FA6] =	sst s4  }
0xd: {  	[smem:$0x3FA7] =	sst s5  }
0xe: {  	[smem:$0x3FA8] =	sst s6  }
0xf: {  	[smem:$0x3FA9] =	sst s7  }
0x10: {  	[smem:$0x3FAA] =	sst s8  }
0x11: {  	[smem:$0x3FAB] =	sst s9;
	s0 =	simm.s32 @!p0 $0x0  }
0x12: {  	s1 =	sld [smem:$0x3F91];
	s0 =	simm.s32 @p0 $0x1  }
0x13: {  	[smem:$0x3FAC] =	sst s0;
	s0 =	simm.s32 @!p1 $0x0  }
0x14: {  	s2 =	sld [smem:$0x3F90];
	s0 =	simm.s32 @p1 $0x1  }
0x15: {  	[smem:$0x3FAD] =	sst s0;
	s0 =	simm.s32 @!p2 $0x0  }
0x16: {  	s3 =	sld [smem:$0x3FDB];
	s0 =	simm.s32 @p2 $0x1  }
0x17: {  	s4 =	simm.s32 $0x1BF5;
	[smem:$0x3FAF] =	sst s0  }
0x18: {  	s0 =	sld [smem:$0x3F92];
	_ =	swait.ge [sflag:s4], $0x0  }
0x19: {  	s7 =	sld [smem:$0x3F93]  }
0x1a: {  	s8 =	sadd.s32 $0xFFFFE003, lr  }
0x1b: {  	s9 =	sadd.s32 $0xFFFFFEF7, lr;
	s5 =	simm.s32 $0xFFFFFFFF;
	p2 =	slt.u32 s8, $0xFFFFF086  }
0x1c: {  	p1 =	slt.u32 s9, $0xF7A;
	s5 =	simm.s32 @!p2 $0x0  }
0x1d: {  	s5 =	simm.s32 @p1 $0x1;
	p0 =	seq.s32 s7, s2  }
0x1e: {  	s7 =	smul.u32 @!p0 $0xF7A, s2;
	p2 =	seq.s32 @!p0 s5, $0x0  }
0x1f: {  	s9 =	smul.u32 $0xF7A, s1;
	s8 =	simm.s32 @!p0 $0x1BF5;
	p2 =	por !p2, p0  }
0x20: {  	[sflag:s8] =	ssyncset.s32 @!p0 $0xFFFFF086;
	s6 =	sadd.s32 @!p0 s3, s7;
	s7 =	simm.s32 @!p0 $0x108  }
0x21: {  	s3 =	sadd.s32 s3, s9;
	s6 =	sadd.s32 @!p0 $0x88, s6;
	s7 =	simm.s32 @p2 $0x1082  }
0x22: {  	[simem:s7], [sflag:s8] =	dma.local @!p0 [hbm:s6], $0xF7A  }
0x23: {  	s9 =	sor.u32 $0xD0000000, s2;
	s6 =	simm.s32 $0x108;
	_ =	swait.ge @!p0 [sflag:s8], $0x0  }
0x24: {  	s3 =	sadd.s32 $0x88, s3;
	s6 =	simm.s32 @!p1 $0x1082;
	[sflag:s4] =	ssyncset.s32 $0xFFFFF086  }
0x25: {  	[simem:s6], [sflag:s4] =	dma.local [hbm:s3], $0xF7A  }
0x26: {  	[smem:$0x3F93] =	sst s1;
	(tag) =	ssettag s2;
	_ =	strace s9  }
0x27: {  	s1 =	sld [smem:$0x3FA3]  }
0x28: {  	s2 =	sld [smem:$0x3FA4]  }
0x29: {  	s4 =	sld [smem:$0x3FA6]  }
0x2a: {  	p0 =	seq.s32 s5, $0x0;
	s5 =	sld [smem:$0x3FA7]  }
0x2b: {  	s6 =	sld [smem:$0x3FA8]  }
0x2c: {  	s7 =	sld [smem:$0x3FA9]  }
0x2d: {  	s3 =	simm.s32 $0x108;
	s8 =	sld [smem:$0x3FAA]  }
0x2e: {  	s3 =	simm.s32 @!p0 $0x1082;
	s9 =	sld [smem:$0x3FAB]  }
0x2f: {  	lr =	sadd.s32 s0, s3;
	s0 =	sld [smem:$0x3FA2]  }
0x30: {  	s3 =	sld [smem:$0x3FA5]  }
0x31: {  	[smem:$0x3FAE] =	sst s10  }
0x32: {  	s10 =	sld [smem:$0x3FAC];
	_ =	sdelay $0x3  }
0x33: {  	p0 =	seq.s32 s10, $0x1;
	s10 =	sld [smem:$0x3FAE];
	_ =	sdelay $0x3  }
0x34: {  	[smem:$0x3FAE] =	sst s10  }
0x35: {  	s10 =	sld [smem:$0x3FAD];
	_ =	sdelay $0x3  }
0x36: {  	p1 =	seq.s32 s10, $0x1;
	s10 =	sld [smem:$0x3FAE];
	_ =	sdelay $0x3  }
0x37: {  	[smem:$0x3FAE] =	sst s10  }
0x38: {  	s10 =	sld [smem:$0x3FAF]  }
0x39: {  	_ = 	snop;
	(pc) =	sbr.ind lr, $3  }
0x3a: {  	_ = 	snop  }
0x3b: {  	_ = 	snop  }
0x3c: {  	p2 =	seq.s32 s10, $0x1;
	s10 =	sld [smem:$0x3FAE]  }
0x3d: {  	_ =	shalt  }
0x3e: {  	_ =	shalt  }
0x3f: {  	_ =	shalt  }
0x40: {  	_ =	shalt  }
0x41: {  	_ =	shalt  }
0x42: {  	_ =	shalt  }
0x43: {  	_ =	shalt  }
0x44: {  	_ =	shalt  }
0x45: {  	_ =	shalt  }
0x46: {  	_ =	shalt  }
0x47: {  	_ =	shalt  }
0x48: {  	_ =	shalt  }
0x49: {  	_ =	shalt  }
0x4a: {  	_ =	shalt  }
0x4b: {  	_ =	shalt  }
0x4c: {  	_ =	shalt  }
0x4d: {  	_ =	shalt  }
0x4e: {  	_ =	shalt  }
0x4f: {  	_ =	shalt  }
0x50: {  	_ =	shalt  }
0x51: {  	_ =	shalt  }
0x52: {  	_ =	shalt  }
0x53: {  	_ =	shalt  }
0x54: {  	_ =	shalt  }
0x55: {  	_ =	shalt  }
0x56: {  	_ =	shalt  }
0x57: {  	_ =	shalt  }
0x58: {  	_ =	shalt  }
0x59: {  	_ =	shalt  }
0x5a: {  	_ =	shalt  }
0x5b: {  	_ =	shalt  }
0x5c: {  	_ =	shalt  }
0x5d: {  	_ =	shalt  }
0x5e: {  	_ =	shalt  }
0x5f: {  	_ =	shalt  }
0x60: {  	_ =	shalt  }
0x61: {  	_ =	shalt  }
0x62: {  	_ =	shalt  }
0x63: {  	_ =	shalt  }
0x64: {  	_ =	shalt  }
0x65: {  	_ =	shalt  }
0x66: {  	_ =	shalt  }
0x67: {  	_ =	shalt  }
0x68: {  	_ =	shalt  }
0x69: {  	_ =	shalt  }
0x6a: {  	_ =	shalt  }
0x6b: {  	_ =	shalt  }
0x6c: {  	_ =	shalt  }
0x6d: {  	_ =	shalt  }
0x6e: {  	_ =	shalt  }
0x6f: {  	_ =	shalt  }
0x70: {  	_ =	shalt  }
0x71: {  	_ =	shalt  }
0x72: {  	_ =	shalt  }
0x73: {  	_ =	shalt  }
0x74: {  	_ =	shalt  }
0x75: {  	_ =	shalt  }
0x76: {  	_ =	shalt  }
0x77: {  	_ =	shalt  }
0x78: {  	_ =	shalt  }
0x79: {  	_ =	shalt  }
0x7a: {  	_ =	shalt  }
0x7b: {  	_ =	shalt  }
0x7c: {  	_ =	shalt  }
0x7d: {  	_ =	shalt  }
0x7e: {  	_ =	shalt  }
0x7f: {  	_ =	shalt  }
0x80: {  	_ =	shalt  }
0x81: {  	_ =	shalt  }
0x82: {  	_ =	shalt  }
0x83: {  	_ =	shalt  }
0x84: {  	_ =	shalt  }
0x85: {  	_ =	shalt  }
0x86: {  	_ =	shalt  }
0x87: {  	_ =	shalt  }
.Lfunc_end0:
.L_simem_size_0:
called_computation_lowered:
.L_overlay_start_0:
0x88: {  	s2 =	sld [smem:$0x3FD9]  }
0x89: {  	s3 =	sld [smem:$0x3FFE];
	_ =	sdelay $0x1  }
0x8a: {  	s1 =	srdreg.scid  }
0x8b: {  	s0 =	sand.u32 $0x1, s1  }
0x8c: {  	s14 =	sshll.u32 s0, $0xA;
	s2 =	sadd.s32 s3, s2  }
0x8d: {  	s2 =	sadd.s32 s2, s14  }
0x8e: {  	[smem:$0x3FBA] =	sst s2  }
0x8f: {  	_ = 	snop  }
0x90: {  	s2 =	sld [smem:$0x3FD0];
	_ =	sdelay $0x2  }
0x91: {  	s15 =	simm.s32 $0xA;
	s4 =	simm.s32 $0x10  }
0x92: {  	[smem:s4], [sflag:s15] =	dma.local [hbm:s2], $0x1  }
0x93: {  	_ =	swait.eq [sflag:s15], $0x1  }
0x94: {  	[sflag:s15] =	ssyncset.done $0x0  }
0x95: {  	s16 =	sld [smem:$0x10];
	[sflag:s15] =	ssyncadd.s32 $0xFFFFFFFF  }
0x96: {  	s17 =	sld [smem:$0x12];
	(tm) =	ssettm $0x1  }
0x97: {  	s18 =	sld [smem:$0x3FFB];
	_ =	sdelay $0x3  }
0x98: {  	_ =	strace s18  }
0x99: {  	s4 =	sld [smem:$0x3FFC];
	_ =	sdelay $0x3  }
0x9a: {  	_ =	strace s4  }
0x9b: {  	s4 =	sld [smem:$0x3FFD];
	_ =	sdelay $0x3  }
0x9c: {  	_ =	strace s4  }
0x9d: {  	_ =	strace $0x8FFFFFFF  }
0x9e: {  	s19 =	sld [smem:$0x3FDB];
	_ =	sdelay $0x1  }
0x9f: {  	s5 =	simm.s32 $_scs_section_size  }
0xa0: {  	s6 =	simm.s32 $_size__tile_overlayer_lowered;
	s7 =	simm.s32 $_tile_overlayer_lowered  }
0xa1: {  	s22 =	simm.s32 $0x1BFF;
	s21 =	sshll.u32 s7, $0x1;
	s4 =	sadd.s32 s5, s19  }
0xa2: {  	s8 =	simm.s32 $0x0;
	s20 =	sshll.u32 s6, $0x1;
	s6 =	sadd.s32 s21, s4  }
0xa3: {  	[timem:s8], [sflag:s22] =	dma.local [hbm:s6], s20  }
0xa4: {  	_ =	swait.ge [sflag:s22], s20  }
0xa5: {  	s5 =	ssub.s32 $0x0, s20;
	[sflag:s22] =	ssyncset.done $0x0  }
0xa6: {  	[sflag:s22] =	ssyncadd.s32 s5;
	_ =	sdelay $0x1  }
0xa7: {  	s23 =	simm.s32 $0x1B8B  }
0xa8: {  	_ =	swait.ge [sflag:s23], $0x1  }
0xa9: {  	[sflag:s23] =	ssyncset.done $0x0  }
0xaa: {  	s25 =	simm.s32 $0x1B8E;
	s24 =	sld [smem:$0x3FFE];
	[sflag:s23] =	ssyncadd.s32 $0xFFFFFFFF  }
0xab: {  	s26 =	simm.s32 $execute0_lowered;
	[smem:$0x3FD2] =	sst s25  }
0xac: {  	s6 =	sshll.u32 s26, $0x1;
	_ =	strace $0x80000046;
	[dreg:$0x1] =	wrdreg $0xFFFFFFFF  }
0xad: {  	s28 =	simm.s32 $_size_execute0_lowered;
	s4 =	sadd.s32 s4, s6;
	[dreg:$0x0] =	wrdreg $0x0  }
0xae: {  	s6 =	sshll.u32 s28, $0x1;
	[dreg:$0x2] =	wrdreg s4  }
0xaf: {  	[dreg:$0x3] =	wrdreg s6  }
0xb0: {  	[dreg:$0x4] =	wrdreg $0xC0  }
0xb1: {  	_ =	task [dreg:s8], $0x5FFFF  }
0xb2: {  	[dreg:$0x1] =	wrdreg $0xFFFFFFFF  }
0xb3: {  	[dreg:$0x0] =	wrdreg $0x60  }
0xb4: {  	[dreg:$0x2] =	wrdreg s17  }
0xb5: {  	[dreg:$0x3] =	wrdreg s16  }
0xb6: {  	[dreg:$0x4] =	wrdreg s24  }
0xb7: {  	[dreg:$0x5] =	wrdreg $0x9  }
0xb8: {  	_ =	task.clear_ibuf [dreg:s8], $0x6FFFF;
	_ =	strace $0x90000046  }
0xb9: {  	s29 =	simm.s32 $0x9;
	_ =	strace $0x80000048  }
0xba: {  	_ =	swait.ge [sflag:s29], $0x1  }
0xbb: {  	[sflag:s29] =	ssyncadd.s32 $0xFFFFFFFF  }
0xbc: {  	_ =	strace $0x90000048  }
0xbd: {  	_ =	sfence  }
0xbe: {  	s30 =	sld [smem:$0x0];
	_ =	sdelay $0x2  }
0xbf: {  	s31 =	sshll.u32 s1, $0xD;
	s1 =	sshrl.u32 s1, $0x2  }
0xc0: {  	s3 =	sand.u32 $0x4000, s31;
	s1 =	sadd.s32 s1, s30  }
0xc1: {  	s0 =	sor.u32 s3, s0;
	s1 =	sshll.u32 s1, $0x11  }
0xc2: {  	s0 =	sor.u32 s1, s0  }
0xc3: {  	s0 =	sadd.s32 $0x8F2B, s0  }
0xc4: {  	[sflag:s0] =	ssyncadd.remote.s32 $0x1  }
0xc5: {  	_ =	sfence.sel $0xFFFF  }
0xc6: {  	[dreg:$0x0] =	wrdreg $0xFFFFFFFF;
	(pc) =	sbr.abs _section_cstart, $3  }
0xc7: {  	[dreg:$0x1] =	wrdreg $0xFFFFFFFF  }
0xc8: {  	_ =	task.clear_ibuf [dreg:s8], $0x2FFFF;
	_ =	strace $0x9FFFFFFF  }
0xc9: {  	(tm) =	ssettm $0x7FFFFFFF  }
tec
execute0_lowered:
.L_overlay_start_1:
0x0: {  	(tag) =	ssettag $0x1  }
0x1: {  	s1 =	rddreg [dreg:$0x0];
	s2 =	srdreg.scid  }
0x2: {  	s4 =	rddreg [dreg:$0x1];
	s0 =	stileid.u32  }
0x3: {  	s8 =	rddreg [dreg:$0x2];
	s3 =	simm.s32 $0x0;
	s6 =	sand.u32 $0x1, s2  }
0x4: {  	s5 =	sshll.u32 s0, $0x9;
	s2 =	rddreg [dreg:$0x3];
	s7 =	sshll.u32 s6, $0x8  }
0x5: {  	[smem:$0x7FF] =	sst s3;
	s9 =	sor.u32 s7, s5  }
0x6: {  	_ =	strace $0x80000047;
	s10 =	ssub.s32 $0x2, s6;
	s5 =	sshrl.u32 s9, $0x3  }
0x7: {  	s6 =	simm.s32 $0x100;
	s5 =	sadd.s32 s4, s5;
	s4 =	simm.s32 $0x2  }
0x8: {  	[tilespmem:s3], [sflag:$0x2] =	stream.linear.gather [hbm4b:s5+s3], $0x100, $0x38;
	[tilespmem:$0x8100] =	vst v63  }
0x9: {  	s7 =	simm.s32 $0x1;
	s11 =	sshrl.u32 s10, $0x1;
	_ =	swait.ge [sflag:s4], $0x100  }
0xa: {  	s9 =	sshll.u32 s9, $0x4;
	s31 =	ssub.s32 s10, s11;
	[sflag:s4] =	ssyncset.done $0x0  }
0xb: {  	s8 =	sadd.s32 s9, s8;
	s9 =	smax.u32 s31, $0x1;
	[sflag:s4] =	ssyncadd.s32 $0xFFFFFF00  }
0xc: {  	[tilespmem:s6], [sflag:$0x1] =	stream.indirect.gather [hbm4b:s1+s6], $0x80, s3, s6, $0xb8;
	[tilespmem:$0x8100] =	vst v63  }
0xd: {  	p0 =	sne.s32 s9, $0x1;
	_ =	swait.ge [sflag:s7], $0x8000  }
.Ltmp0:
0xe: {  	[sflag:s7] =	ssyncset.done $0x0;
	(pc) =	sbr.rel @!p0 .LBB2_2-.Ltmp0, $4  }
0xf: {  	s8 =	sadd.s32 $0x2A00, s8;
	[sflag:s7] =	ssyncadd.s32 $0xFFFF8000  }
0x10: {  	[hbm4b:s8+s3] =	stream.linear.scatter [tilespmem:s6], [sflag:$0x2], $0x8000, $0x38;
	[tilespmem:$0x8100] =	vst v63  }
0x11: {  	_ =	swait.ge [sflag:s4], $0x8000  }
0x12: {  	s9 =	sadd.s32 $0xFFFFFFFF, s9;
	[sflag:s4] =	ssyncset.done $0x0  }
.LBB2_1:
0x13: {  	p0 =	sne.s32 s9, $0x1;
	s9 =	sadd.s32 $0xFFFFFFFF, s9;
	[sflag:s4] =	ssyncadd.s32 $0xFFFF8000  }
0x14: {  	[tilespmem:s3], [sflag:$0x2] =	stream.linear.gather [hbm4b:s5+s3], $0x100, $0x38;
	[tilespmem:$0x8100] =	vst v63  }
0x15: {  	_ =	swait.ge [sflag:s4], $0x100  }
0x16: {  	[sflag:s4] =	ssyncset.done $0x0  }
0x17: {  	[sflag:s4] =	ssyncadd.s32 $0xFFFFFF00  }
0x18: {  	[tilespmem:s6], [sflag:$0x1] =	stream.indirect.gather [hbm4b:s1+s6], $0x80, s3, s6, $0xb8;
	[tilespmem:$0x8100] =	vst v63  }
0x19: {  	_ =	swait.ge [sflag:s7], $0x8000  }
.Ltmp1:
0x1a: {  	[sflag:s7] =	ssyncset.done $0x0;
	(pc) =	sbr.rel @p0 .LBB2_1-.Ltmp1, $4  }
0x1b: {  	[sflag:s7] =	ssyncadd.s32 $0xFFFF8000  }
0x1c: {  	[hbm4b:s8+s3] =	stream.linear.scatter [tilespmem:s6], [sflag:$0x2], $0x8000, $0x38;
	[tilespmem:$0x8100] =	vst v63  }
0x1d: {  	_ =	swait.ge [sflag:s4], $0x8000  }
0x1e: {  	[sflag:s4] =	ssyncset.done $0x0  }
.LBB2_2:
0x1f: {  	[sflag:s4] =	ssyncadd.s32 $0xFFFF8000  }
0x20: {  	_ =	sfence.sel $0x180000  }
0x21: {  	[bflag:$0x0] =	sbarrier.arrive $0xFFFF  }
0x22: {  	p0 =	sne.s32 s0, $0x0;
	_ =	strace $0x90000047  }
0x23: {  	s0 =	sadd.s32 @!p0 $0x100000, s2;
	[bflag:$0x2] =	sbarrier.arrive $0xFFFF  }
0x24: {  	[sflag:s0] =	ssyncadd.tile.s32 @!p0 $0x1;
	_ =	shalt  }
.Lfunc_end2:
_tile_overlayer_lowered:
.L_overlay_start_2:
0x25: {  	(tag) =	ssettag $0x2  }
0x26: {  	s0 =	rddreg [dreg:$0x0];
	s2 =	stileid.u32  }
0x27: {  	s1 =	rddreg [dreg:$0x1];
	p0 =	sne.s32 s2, $0x0  }
0x28: {  	s3 =	rddreg [dreg:$0x2];
	[bflag:$0x3] =	sbarrier.arrive $0xFFFF;
	s2 =	simm.s32 @!p0 $0x1C02  }
0x29: {  	[timem:s3], [sflag:s2] =	dma.local @!p0 [hbm:s0], s1  }
0x2a: {  	s0 =	simm.s32 @!p0 $0x2  }
0x2b: {  	_ =	swait.ge @!p0 [sflag:s0], s1  }
0x2c: {  	s1 =	ssub.s32 @!p0 $0x0, s1;
	[sflag:s0] =	ssyncset.done @!p0 $0x0  }
0x2d: {  	[sflag:s0] =	ssyncadd.s32 @!p0 s1  }
0x2e: {  	[bflag:$0x3] =	sbarrier.arrive $0xFFFF  }
0x2f: {  	_ =	shalt  }

</sc_bundles>
